<compile_context>
chip_gen: v7x
topology: tpu7x:2x2x1
jax: 0.10.2.dev20260603
libtpu: 0.0.44.dev20260713+nightly
codegen_flags: <defaults>
</compile_context>

<pallas_src>
import jax
import jax.numpy as jnp
from jax.experimental import pallas as pl
from jax.experimental.pallas import tpu as pltpu
from jax.experimental.pallas import tpu_sc as plsc

T, H, E, F, TOP_K = 32, 2048, 16, 1408, 2
HH = H // 2
FH = F // 2


def _scale_from_combine(combine, e):
    iota = jax.lax.broadcasted_iota(jnp.int32, (T, E), 1)
    return jnp.sum(jnp.where(iota == e, combine, 0.0), axis=1, keepdims=True)


def _router_combine(router_logits):
    info = plsc.get_sparse_core_info()
    nw = info.num_cores * info.num_subcores
    tpw = -(-T // nw)
    mesh = plsc.VectorSubcoreMesh(core_axis_name="c", subcore_axis_name="s")

    def body(logits_hbm, out_hbm, lv, ov):
        wid = jax.lax.axis_index("s") * info.num_cores + jax.lax.axis_index("c")
        for i in range(tpw):
            t = wid * tpw + i

            @pl.when(t < T)
            def _():
                pltpu.sync_copy(logits_hbm.at[t], lv)
                l = lv[...]
                iota = jax.lax.iota(jnp.int32, E)
                m1 = jnp.max(l)
                idx1 = jnp.min(jnp.where(l >= m1, iota, E))
                masked = jnp.where(iota == idx1, -jnp.inf, l)
                m2 = jnp.max(masked)
                idx2 = jnp.min(jnp.where(masked >= m2, iota, E))
                e2 = jnp.max(jnp.exp(masked - m1))
                y = 0.5 * (1.0 + e2)
                r = 2.8235294 - 1.8823529 * y
                r = r * (2.0 - y * r)
                r = r * (2.0 - y * r)
                r = r * (2.0 - y * r)
                w2 = e2 * (0.5 * r)
                w1 = 1.0 - w2
                ov[...] = (jnp.where(iota == idx1, w1, 0.0)
                           + jnp.where(iota == idx2, w2, 0.0))
                pltpu.sync_copy(ov, out_hbm.at[t])

    return pl.kernel(
        body,
        out_type=jax.ShapeDtypeStruct((T, E), jnp.float32),
        mesh=mesh,
        scratch_types=[
            pltpu.VMEM((E,), jnp.float32),
            pltpu.VMEM((E,), jnp.float32),
        ],
        compiler_params=pltpu.CompilerParams(needs_layout_passes=False),
    )(router_logits)


def _moe_kernel(x_ref, combine_ref, wg_hbm, wu_hbm, wd_hbm, out_ref,
                a_buf, d_buf, a_sem, d_sem):
    def issue_a(e, j, slot):
        w = wg_hbm if j < 2 else wu_hbm
        h0 = (j % 2) * HH
        pltpu.make_async_copy(
            w.at[e, pl.ds(h0, HH), :], a_buf.at[slot], a_sem.at[slot]).start()

    def issue_d(e, j, slot):
        pltpu.make_async_copy(
            wd_hbm.at[e, pl.ds(j * FH, FH), :],
            d_buf.at[slot], d_sem.at[slot]).start()

    for c in range(7):
        issue_a(c // 4, c % 4, c)
    for c in range(3):
        issue_d(c // 2, c % 2, c)

    x = x_ref[...]
    x0 = x[:, :HH]
    x1 = x[:, HH:]
    combine = combine_ref[...]

    out_ref[...] = jnp.zeros((T, H), dtype=jnp.float32)

    def body(e, carry):
        def consume_a(j, xh):
            sa = jax.lax.rem(4 * e + j, 7)
            pltpu.make_async_copy(
                a_buf.at[sa], a_buf.at[sa], a_sem.at[sa]).wait()
            r = jnp.dot(xh, a_buf[sa], preferred_element_type=jnp.float32)
            e_i = e + 1 if j == 0 else e + 2
            j_i = (j + 3) % 4

            @pl.when(e_i < E)
            def _():
                issue_a(e_i, j_i, sa)
            return r

        g = consume_a(0, x0)
        g += consume_a(1, x1)
        u = consume_a(2, x0)
        u += consume_a(3, x1)

        scale = _scale_from_combine(combine, e)
        act = scale * ((g * jax.lax.logistic(g)) * u)

        def consume_d(j):
            sd = jax.lax.rem(2 * e + j, 3)
            pltpu.make_async_copy(
                d_buf.at[sd], d_buf.at[sd], d_sem.at[sd]).wait()
            out_ref[...] += jnp.dot(act[:, j * FH:(j + 1) * FH], d_buf[sd],
                                    preferred_element_type=jnp.float32)
            e_i = e + 1 if j == 0 else e + 2
            j_i = 1 - j

            @pl.when(e_i < E)
            def _():
                issue_d(e_i, j_i, sd)

        consume_d(0)
        consume_d(1)
        return carry

    jax.lax.fori_loop(0, E, body, 0)


def kernel(hidden_states, router_logits, W_gate, W_up, W_down):
    combine = _router_combine(router_logits)
    return pl.pallas_call(
        _moe_kernel,
        in_specs=[
            pl.BlockSpec(memory_space=pltpu.VMEM),
            pl.BlockSpec(memory_space=pltpu.VMEM),
            pl.BlockSpec(memory_space=pl.ANY),
            pl.BlockSpec(memory_space=pl.ANY),
            pl.BlockSpec(memory_space=pl.ANY),
        ],
        out_specs=pl.BlockSpec(memory_space=pltpu.VMEM),
        out_shape=jax.ShapeDtypeStruct((T, H), jnp.float32),
        scratch_shapes=[
            pltpu.VMEM((7, HH, F), jnp.float32),
            pltpu.VMEM((3, FH, H), jnp.float32),
            pltpu.SemaphoreType.DMA((7,)),
            pltpu.SemaphoreType.DMA((3,)),
        ],
        compiler_params=pltpu.CompilerParams(
            vmem_limit_bytes=63 * 1024 * 1024,
        ),
    )(hidden_states, combine, W_gate, W_up, W_down)

# --- scband reference (transcript-rebuilt; emitter-appended) ---
"""Pipeline reference for scband-hybrid-mo-e-20839181320753 (READ-ONLY COPY).

The authoritative reference and input builder live on the scoring server;
editing this copy changes nothing except your own understanding.
"""

import jax, jax.numpy as jnp
import numpy as np

T, H, E, F, TOP_K = 32, 2048, 16, 1408, 2

def setup_inputs(seed: int = 0) -> dict:
    key = jax.random.key(seed)
    ks = jax.random.split(key, 5)
    hidden_states = jax.random.normal(ks[0], (T, H), dtype=jnp.float32)
    router_logits = jax.random.normal(ks[1], (T, E), dtype=jnp.float32)
    # Expert FFN (SwiGLU-style gate/up/down) parameters, one set per expert.
    W_gate = jax.random.normal(ks[2], (E, H, F), dtype=jnp.float32) * 0.02
    W_up = jax.random.normal(ks[3], (E, H, F), dtype=jnp.float32) * 0.02
    W_down = jax.random.normal(ks[4], (E, F, H), dtype=jnp.float32) * 0.02
    return {
        "hidden_states": hidden_states,
        "router_logits": router_logits,
        "W_gate": W_gate,
        "W_up": W_up,
        "W_down": W_down,
    }

def reference(hidden_states, router_logits, W_gate, W_up, W_down):
    # topk_weights, topk_ids = torch.topk(router_logits, top_k)
    topk_weights, topk_ids = jax.lax.top_k(router_logits, TOP_K)
    # topk_weights = softmax over the selected k logits
    topk_weights = jax.nn.softmax(topk_weights, axis=-1)
    num_experts = router_logits.shape[-1]
    # combine[t, e] = routing weight of token t for expert e (0 if not routed).
    # Equivalent to the one_hot(topk_ids).sum(dim=1) mask combined with the
    # per-(token, expert) gather of topk_weights in the torch loop.
    one_hot = jax.nn.one_hot(topk_ids, num_experts, dtype=hidden_states.dtype)  # [T, k, E]
    combine = jnp.sum(one_hot * topk_weights[..., None], axis=1)  # [T, E]
    final_states = jnp.zeros_like(hidden_states)
    for expert_idx in range(num_experts):
        # All experts resident (gpu_experts_mask all True); CPU backend contributes zeros.
        g = hidden_states @ W_gate[expert_idx]
        u = hidden_states @ W_up[expert_idx]
        expert_out = (jax.nn.silu(g) * u) @ W_down[expert_idx]
        # Tokens not routed to this expert have combine weight 0, matching the
        # index_add over the gathered token subset in the torch code.
        final_states = final_states + combine[:, expert_idx:expert_idx + 1] * expert_out
    cpu_output = jnp.zeros_like(hidden_states)  # cpu_backend handles no experts here
    return final_states + cpu_output

if __name__ == "__main__":
    import jax
    _d = setup_inputs()
    print(jax.jit(kernel)(*tuple(_d.values())))

</pallas_src>

<mosaic_0001>
#map = affine_map<(d0, d1) -> (0, 0)>
module attributes {stable_mosaic.version = 14 : i64} {
  func.func @body(%arg0: i32, %arg1: i32, %arg2: memref<32x16xf32, #tpu.memory_space<hbm>>, %arg3: memref<32x16xf32, #tpu.memory_space<hbm>>, %arg4: memref<16xf32, #tpu.memory_space<vmem>>, %arg5: memref<16xf32, #tpu.memory_space<vmem>>) attributes {dimension_semantics = [#tpu.dimension_semantics<core_parallel>, #tpu.dimension_semantics<subcore_parallel>], iteration_bounds = array<i64: 2, 16>, scalar_prefetch = 0 : i64, scratch_operands = 2 : i64, tpu.core_type = #tpu.core_type<sc_vector_subcore>, window_params = [{transform_indices = #map}, {transform_indices = #map}]} {
    %mul3A = arith.constant 2 : i32
    %mul3A_0 = arith.muli %arg1, %mul3A : i32
    %add3A = arith.addi %mul3A_0, %arg0 : i32
    %mul3A_1 = arith.constant 1 : i32
    %mul3A_2 = arith.muli %add3A, %mul3A_1 : i32
    %add3A_3 = arith.constant 0 : i32
    %add3A_4 = arith.addi %mul3A_2, %add3A_3 : i32
    %lt3A = arith.constant 32 : i32
    %lt3A_5 = arith.cmpi slt, %add3A_4, %lt3A : i32
    %convert_element_type3A = arith.extui %lt3A_5 : i1 to i32
    %cond3A = arith.constant 0 : i32
    %cond3A_6 = arith.cmpi ne, %convert_element_type3A, %cond3A : i32
    scf.if %cond3A_6 {
      "tpu.region"() ({
        %run_scoped3A = tpu.sem_alloc : memref<!tpu.dma_semaphore, #tpu.memory_space<semaphore_mem>>
        %dma_start3A = arith.constant 0 : i32
        %dma_start3A_84 = tpu.memref_slice %arg2[%add3A_4, %dma_start3A] : memref<32x16xf32, #tpu.memory_space<hbm>> -> memref<1x16xf32, #tpu.memory_space<hbm>>
        %dma_start3A_85 = tpu.memref_squeeze %dma_start3A_84 : memref<1x16xf32, #tpu.memory_space<hbm>> -> memref<16xf32, #tpu.memory_space<hbm>>
        %dma_start3A_86 = arith.constant 0 : i32
        %dma_start3A_87 = tpu.memref_slice %arg2[%add3A_4, %dma_start3A_86] : memref<32x16xf32, #tpu.memory_space<hbm>> -> memref<1x16xf32, #tpu.memory_space<hbm>>
        %dma_start3A_88 = tpu.memref_squeeze %dma_start3A_87 : memref<1x16xf32, #tpu.memory_space<hbm>> -> memref<16xf32, #tpu.memory_space<hbm>>
        tpu.enqueue_dma source(%dma_start3A_88 : memref<16xf32, #tpu.memory_space<hbm>>) target(%arg4 : memref<16xf32, #tpu.memory_space<vmem>>) target_semaphore(%run_scoped3A : memref<!tpu.dma_semaphore, #tpu.memory_space<semaphore_mem>>)
        %dma_wait3A = arith.constant 0 : i32
        %dma_wait3A_89 = tpu.memref_slice %arg2[%add3A_4, %dma_wait3A] : memref<32x16xf32, #tpu.memory_space<hbm>> -> memref<1x16xf32, #tpu.memory_space<hbm>>
        %dma_wait3A_90 = tpu.memref_squeeze %dma_wait3A_89 : memref<1x16xf32, #tpu.memory_space<hbm>> -> memref<16xf32, #tpu.memory_space<hbm>>
        %dma_wait3A_91 = arith.constant 0 : i32
        %dma_wait3A_92 = tpu.memref_slice %arg2[%add3A_4, %dma_wait3A_91] : memref<32x16xf32, #tpu.memory_space<hbm>> -> memref<1x16xf32, #tpu.memory_space<hbm>>
        %dma_wait3A_93 = tpu.memref_squeeze %dma_wait3A_92 : memref<1x16xf32, #tpu.memory_space<hbm>> -> memref<16xf32, #tpu.memory_space<hbm>>
        tpu.wait_dma2 semaphore(%run_scoped3A : memref<!tpu.dma_semaphore, #tpu.memory_space<semaphore_mem>>) src(%dma_wait3A_93 : memref<16xf32, #tpu.memory_space<hbm>>) dst(%arg4 : memref<16xf32, #tpu.memory_space<vmem>>)
        tpu.yield
      }) : () -> ()
      %get3A = arith.constant 0 : index
      %get3A_7 = tpu.vector_load %arg4[%get3A] {strides = array<i32>} : memref<16xf32, #tpu.memory_space<vmem>>, vector<16xf32>,
      %iota3A = tpu.iota {dimensions = array<i32: 0>} : vector<16xi32>
      %reduce_max3A = arith.constant true
      %reduce_max3A_8 = vector.broadcast %reduce_max3A : i1 to vector<16xi1>
      %reduce_max3A_9 = tpu.scan <max>, %get3A_7 masked %reduce_max3A_8 : vector<16xf32>, vector<16xi1> -> vector<16xf32>
      %reduce_max3A_10 = vector.extract %reduce_max3A_9[15] : f32 from vector<16xf32>
      %ge3A = vector.broadcast %reduce_max3A_10 : f32 to vector<16xf32>
      %ge3A_11 = arith.cmpf oge, %get3A_7, %ge3A : vector<16xf32>
      %jit3A = arith.constant 16 : i32
      %broadcast_in_dim3A = vector.broadcast %jit3A : i32 to vector<16xi32>
      %select_n3A = arith.select %ge3A_11, %iota3A, %broadcast_in_dim3A : vector<16xi1>, vector<16xi32>
      %reduce_min3A = arith.constant true
      %reduce_min3A_12 = vector.broadcast %reduce_min3A : i1 to vector<16xi1>
      %reduce_min3A_13 = arith.constant -2147483648 : i32
      %reduce_min3A_14 = vector.broadcast %reduce_min3A_13 : i32 to vector<16xi32>
      %reduce_min3A_15 = arith.xori %select_n3A, %reduce_min3A_14 : vector<16xi32>
      %reduce_min3A_16 = tpu.scan <min>, %reduce_min3A_15 masked %reduce_min3A_12 : vector<16xi32>, vector<16xi1> -> vector<16xi32>
      %reduce_min3A_17 = arith.xori %reduce_min3A_16, %reduce_min3A_14 : vector<16xi32>
      %reduce_min3A_18 = vector.extract %reduce_min3A_17[15] : i32 from vector<16xi32>
      %eq3A = vector.broadcast %reduce_min3A_18 : i32 to vector<16xi32>
      %eq3A_19 = arith.cmpi eq, %iota3A, %eq3A : vector<16xi32>
      %jit3A_20 = arith.constant 0xFF800000 : f32
      %broadcast_in_dim3A_21 = vector.broadcast %jit3A_20 : f32 to vector<16xf32>
      %select_n3A_22 = arith.select %eq3A_19, %broadcast_in_dim3A_21, %get3A_7 : vector<16xi1>, vector<16xf32>
      %reduce_max3A_23 = arith.constant true
      %reduce_max3A_24 = vector.broadcast %reduce_max3A_23 : i1 to vector<16xi1>
      %reduce_max3A_25 = tpu.scan <max>, %select_n3A_22 masked %reduce_max3A_24 : vector<16xf32>, vector<16xi1> -> vector<16xf32>
      %reduce_max3A_26 = vector.extract %reduce_max3A_25[15] : f32 from vector<16xf32>
      %ge3A_27 = vector.broadcast %reduce_max3A_26 : f32 to vector<16xf32>
      %ge3A_28 = arith.cmpf oge, %select_n3A_22, %ge3A_27 : vector<16xf32>
      %jit3A_29 = arith.constant 16 : i32
      %broadcast_in_dim3A_30 = vector.broadcast %jit3A_29 : i32 to vector<16xi32>
      %select_n3A_31 = arith.select %ge3A_28, %iota3A, %broadcast_in_dim3A_30 : vector<16xi1>, vector<16xi32>
      %reduce_min3A_32 = arith.constant true
      %reduce_min3A_33 = vector.broadcast %reduce_min3A_32 : i1 to vector<16xi1>
      %reduce_min3A_34 = arith.constant -2147483648 : i32
      %reduce_min3A_35 = vector.broadcast %reduce_min3A_34 : i32 to vector<16xi32>
      %reduce_min3A_36 = arith.xori %select_n3A_31, %reduce_min3A_35 : vector<16xi32>
      %reduce_min3A_37 = tpu.scan <min>, %reduce_min3A_36 masked %reduce_min3A_33 : vector<16xi32>, vector<16xi1> -> vector<16xi32>
      %reduce_min3A_38 = arith.xori %reduce_min3A_37, %reduce_min3A_35 : vector<16xi32>
      %reduce_min3A_39 = vector.extract %reduce_min3A_38[15] : i32 from vector<16xi32>
      %sub3A = vector.broadcast %reduce_max3A_10 : f32 to vector<16xf32>
      %sub3A_40 = arith.subf %select_n3A_22, %sub3A : vector<16xf32>
      %exp3A = math.exp %sub3A_40 : vector<16xf32>
      %reduce_max3A_41 = arith.constant true
      %reduce_max3A_42 = vector.broadcast %reduce_max3A_41 : i1 to vector<16xi1>
      %reduce_max3A_43 = tpu.scan <max>, %exp3A masked %reduce_max3A_42 : vector<16xf32>, vector<16xi1> -> vector<16xf32>
      %reduce_max3A_44 = vector.extract %reduce_max3A_43[15] : f32 from vector<16xf32>
      %add3A_45 = arith.constant 1.000000e+00 : f32
      %add3A_46 = arith.addf %add3A_45, %reduce_max3A_44 : f32
      %mul3A_47 = arith.constant 5.000000e-01 : f32
      %mul3A_48 = arith.mulf %mul3A_47, %add3A_46 : f32
      %mul3A_49 = arith.constant 1.88235295 : f32
      %mul3A_50 = arith.mulf %mul3A_49, %mul3A_48 : f32
      %sub3A_51 = arith.constant 2.82352948 : f32
      %sub3A_52 = arith.subf %sub3A_51, %mul3A_50 : f32
      %mul3A_53 = arith.mulf %mul3A_48, %sub3A_52 : f32
      %sub3A_54 = arith.constant 2.000000e+00 : f32
      %sub3A_55 = arith.subf %sub3A_54, %mul3A_53 : f32
      %mul3A_56 = arith.mulf %sub3A_52, %sub3A_55 : f32
      %mul3A_57 = arith.mulf %mul3A_48, %mul3A_56 : f32
      %sub3A_58 = arith.constant 2.000000e+00 : f32
      %sub3A_59 = arith.subf %sub3A_58, %mul3A_57 : f32
      %mul3A_60 = arith.mulf %mul3A_56, %sub3A_59 : f32
      %mul3A_61 = arith.mulf %mul3A_48, %mul3A_60 : f32
      %sub3A_62 = arith.constant 2.000000e+00 : f32
      %sub3A_63 = arith.subf %sub3A_62, %mul3A_61 : f32
      %mul3A_64 = arith.mulf %mul3A_60, %sub3A_63 : f32
      %mul3A_65 = arith.constant 5.000000e-01 : f32
      %mul3A_66 = arith.mulf %mul3A_65, %mul3A_64 : f32
      %mul3A_67 = arith.mulf %reduce_max3A_44, %mul3A_66 : f32
      %sub3A_68 = arith.constant 1.000000e+00 : f32
      %sub3A_69 = arith.subf %sub3A_68, %mul3A_67 : f32
      %eq3A_70 = vector.broadcast %reduce_min3A_18 : i32 to vector<16xi32>
      %eq3A_71 = arith.cmpi eq, %iota3A, %eq3A_70 : vector<16xi32>
      %jit3A_72 = arith.constant 0.000000e+00 : f32
      %broadcast_in_dim3A_73 = vector.broadcast %sub3A_69 : f32 to vector<16xf32>
      %broadcast_in_dim3A_74 = vector.broadcast %jit3A_72 : f32 to vector<16xf32>
      %select_n3A_75 = arith.select %eq3A_71, %broadcast_in_dim3A_73, %broadcast_in_dim3A_74 : vector<16xi1>, vector<16xf32>
      %eq3A_76 = vector.broadcast %reduce_min3A_39 : i32 to vector<16xi32>
      %eq3A_77 = arith.cmpi eq, %iota3A, %eq3A_76 : vector<16xi32>
      %jit3A_78 = arith.constant 0.000000e+00 : f32
      %broadcast_in_dim3A_79 = vector.broadcast %mul3A_67 : f32 to vector<16xf32>
      %broadcast_in_dim3A_80 = vector.broadcast %jit3A_78 : f32 to vector<16xf32>
      %select_n3A_81 = arith.select %eq3A_77, %broadcast_in_dim3A_79, %broadcast_in_dim3A_80 : vector<16xi1>, vector<16xf32>
      %add3A_82 = arith.addf %select_n3A_75, %select_n3A_81 : vector<16xf32>
      %swap3A = arith.constant 0 : index
      %swap3A_83 = tpu.vector_load %arg5[%swap3A] {strides = array<i32>} : memref<16xf32, #tpu.memory_space<vmem>>, vector<16xf32>,
      tpu.vector_store %arg5[%swap3A], %add3A_82 {strides = array<i32>} : memref<16xf32, #tpu.memory_space<vmem>>, vector<16xf32>,
      "tpu.region"() ({
        %run_scoped3A = tpu.sem_alloc : memref<!tpu.dma_semaphore, #tpu.memory_space<semaphore_mem>>
        %dma_start3A = arith.constant 0 : i32
        %dma_start3A_84 = tpu.memref_slice %arg3[%add3A_4, %dma_start3A] : memref<32x16xf32, #tpu.memory_space<hbm>> -> memref<1x16xf32, #tpu.memory_space<hbm>>
        %dma_start3A_85 = tpu.memref_squeeze %dma_start3A_84 : memref<1x16xf32, #tpu.memory_space<hbm>> -> memref<16xf32, #tpu.memory_space<hbm>>
        %dma_start3A_86 = arith.constant 0 : i32
        %dma_start3A_87 = tpu.memref_slice %arg3[%add3A_4, %dma_start3A_86] : memref<32x16xf32, #tpu.memory_space<hbm>> -> memref<1x16xf32, #tpu.memory_space<hbm>>
        %dma_start3A_88 = tpu.memref_squeeze %dma_start3A_87 : memref<1x16xf32, #tpu.memory_space<hbm>> -> memref<16xf32, #tpu.memory_space<hbm>>
        tpu.enqueue_dma source(%arg5 : memref<16xf32, #tpu.memory_space<vmem>>) target(%dma_start3A_88 : memref<16xf32, #tpu.memory_space<hbm>>) target_semaphore(%run_scoped3A : memref<!tpu.dma_semaphore, #tpu.memory_space<semaphore_mem>>)
        %dma_wait3A = arith.constant 0 : i32
        %dma_wait3A_89 = tpu.memref_slice %arg3[%add3A_4, %dma_wait3A] : memref<32x16xf32, #tpu.memory_space<hbm>> -> memref<1x16xf32, #tpu.memory_space<hbm>>
        %dma_wait3A_90 = tpu.memref_squeeze %dma_wait3A_89 : memref<1x16xf32, #tpu.memory_space<hbm>> -> memref<16xf32, #tpu.memory_space<hbm>>
        %dma_wait3A_91 = arith.constant 0 : i32
        %dma_wait3A_92 = tpu.memref_slice %arg3[%add3A_4, %dma_wait3A_91] : memref<32x16xf32, #tpu.memory_space<hbm>> -> memref<1x16xf32, #tpu.memory_space<hbm>>
        %dma_wait3A_93 = tpu.memref_squeeze %dma_wait3A_92 : memref<1x16xf32, #tpu.memory_space<hbm>> -> memref<16xf32, #tpu.memory_space<hbm>>
        tpu.wait_dma2 semaphore(%run_scoped3A : memref<!tpu.dma_semaphore, #tpu.memory_space<semaphore_mem>>) src(%arg5 : memref<16xf32, #tpu.memory_space<vmem>>) dst(%dma_wait3A_93 : memref<16xf32, #tpu.memory_space<hbm>>)
        tpu.yield
      }) : () -> ()
    } else {
    }
    return
  }
}

module attributes {stable_mosaic.version = 14 : i64} {
  func.func @_moe_kernel(%arg0: memref<32x2048xf32, #tpu.memory_space<vmem>>, %arg1: memref<32x16xf32, #tpu.memory_space<vmem>>, %arg2: memref<16x2048x1408xf32, #tpu.memory_space<any>>, %arg3: memref<16x2048x1408xf32, #tpu.memory_space<any>>, %arg4: memref<16x1408x2048xf32, #tpu.memory_space<any>>, %arg5: memref<32x2048xf32, #tpu.memory_space<vmem>>, %arg6: memref<7x1024x1408xf32, #tpu.memory_space<vmem>>, %arg7: memref<3x704x2048xf32, #tpu.memory_space<vmem>>, %arg8: memref<7x!tpu.dma_semaphore, #tpu.memory_space<semaphore_mem>>, %arg9: memref<3x!tpu.dma_semaphore, #tpu.memory_space<semaphore_mem>>) attributes {dimension_semantics = [], scalar_prefetch = 0 : i64, scratch_operands = 4 : i64, tpu.core_type = #tpu.core_type<tc>} {
    %dma_start3A = arith.constant 0 : i32
    %dma_start3A_0 = arith.constant 0 : i32
    %dma_start3A_1 = arith.constant 0 : i32
    %dma_start3A_2 = tpu.memref_slice %arg8[%dma_start3A_1] : memref<7x!tpu.dma_semaphore, #tpu.memory_space<semaphore_mem>> -> memref<1x!tpu.dma_semaphore, #tpu.memory_space<semaphore_mem>>
    %dma_start3A_3 = tpu.memref_squeeze %dma_start3A_2 : memref<1x!tpu.dma_semaphore, #tpu.memory_space<semaphore_mem>> -> memref<!tpu.dma_semaphore, #tpu.memory_space<semaphore_mem>>
    %dma_start3A_4 = arith.constant 0 : i32
    %dma_start3A_5 = arith.constant 0 : i32
    %dma_start3A_6 = tpu.memref_slice %arg6[%dma_start3A_0, %dma_start3A_4, %dma_start3A_5] : memref<7x1024x1408xf32, #tpu.memory_space<vmem>> -> memref<1x1024x1408xf32, #tpu.memory_space<vmem>>
    %dma_start3A_7 = tpu.memref_squeeze %dma_start3A_6 : memref<1x1024x1408xf32, #tpu.memory_space<vmem>> -> memref<1024x1408xf32, #tpu.memory_space<vmem>>
    %dma_start3A_8 = arith.constant 0 : i32
    %dma_start3A_9 = arith.constant 0 : i32
    %dma_start3A_10 = tpu.memref_slice %arg2[%dma_start3A, %dma_start3A_8, %dma_start3A_9] : memref<16x2048x1408xf32, #tpu.memory_space<any>> -> memref<1x1024x1408xf32, #tpu.memory_space<any>>
    %dma_start3A_11 = tpu.memref_squeeze %dma_start3A_10 : memref<1x1024x1408xf32, #tpu.memory_space<any>> -> memref<1024x1408xf32, #tpu.memory_space<any>>
    tpu.enqueue_dma source(%dma_start3A_11 : memref<1024x1408xf32, #tpu.memory_space<any>>) target(%dma_start3A_7 : memref<1024x1408xf32, #tpu.memory_space<vmem>>) target_semaphore(%dma_start3A_3 : memref<!tpu.dma_semaphore, #tpu.memory_space<semaphore_mem>>)
    %dma_start3A_12 = arith.constant 0 : i32
    %dma_start3A_13 = arith.constant 1 : i32
    %dma_start3A_14 = arith.constant 1 : i32
    %dma_start3A_15 = tpu.memref_slice %arg8[%dma_start3A_14] : memref<7x!tpu.dma_semaphore, #tpu.memory_space<semaphore_mem>> -> memref<1x!tpu.dma_semaphore, #tpu.memory_space<semaphore_mem>>
    %dma_start3A_16 = tpu.memref_squeeze %dma_start3A_15 : memref<1x!tpu.dma_semaphore, #tpu.memory_space<semaphore_mem>> -> memref<!tpu.dma_semaphore, #tpu.memory_space<semaphore_mem>>
    %dma_start3A_17 = arith.constant 0 : i32
    %dma_start3A_18 = arith.constant 0 : i32
    %dma_start3A_19 = tpu.memref_slice %arg6[%dma_start3A_13, %dma_start3A_17, %dma_start3A_18] : memref<7x1024x1408xf32, #tpu.memory_space<vmem>> -> memref<1x1024x1408xf32, #tpu.memory_space<vmem>>
    %dma_start3A_20 = tpu.memref_squeeze %dma_start3A_19 : memref<1x1024x1408xf32, #tpu.memory_space<vmem>> -> memref<1024x1408xf32, #tpu.memory_space<vmem>>
    %dma_start3A_21 = arith.constant 1024 : i32
    %dma_start3A_22 = arith.constant 0 : i32
    %dma_start3A_23 = tpu.memref_slice %arg2[%dma_start3A_12, %dma_start3A_21, %dma_start3A_22] : memref<16x2048x1408xf32, #tpu.memory_space<any>> -> memref<1x1024x1408xf32, #tpu.memory_space<any>>
    %dma_start3A_24 = tpu.memref_squeeze %dma_start3A_23 : memref<1x1024x1408xf32, #tpu.memory_space<any>> -> memref<1024x1408xf32, #tpu.memory_space<any>>
    tpu.enqueue_dma source(%dma_start3A_24 : memref<1024x1408xf32, #tpu.memory_space<any>>) target(%dma_start3A_20 : memref<1024x1408xf32, #tpu.memory_space<vmem>>) target_semaphore(%dma_start3A_16 : memref<!tpu.dma_semaphore, #tpu.memory_space<semaphore_mem>>)
    %dma_start3A_25 = arith.constant 0 : i32
    %dma_start3A_26 = arith.constant 2 : i32
    %dma_start3A_27 = arith.constant 2 : i32
    %dma_start3A_28 = tpu.memref_slice %arg8[%dma_start3A_27] : memref<7x!tpu.dma_semaphore, #tpu.memory_space<semaphore_mem>> -> memref<1x!tpu.dma_semaphore, #tpu.memory_space<semaphore_mem>>
    %dma_start3A_29 = tpu.memref_squeeze %dma_start3A_28 : memref<1x!tpu.dma_semaphore, #tpu.memory_space<semaphore_mem>> -> memref<!tpu.dma_semaphore, #tpu.memory_space<semaphore_mem>>
    %dma_start3A_30 = arith.constant 0 : i32
    %dma_start3A_31 = arith.constant 0 : i32
    %dma_start3A_32 = tpu.memref_slice %arg6[%dma_start3A_26, %dma_start3A_30, %dma_start3A_31] : memref<7x1024x1408xf32, #tpu.memory_space<vmem>> -> memref<1x1024x1408xf32, #tpu.memory_space<vmem>>
    %dma_start3A_33 = tpu.memref_squeeze %dma_start3A_32 : memref<1x1024x1408xf32, #tpu.memory_space<vmem>> -> memref<1024x1408xf32, #tpu.memory_space<vmem>>
    %dma_start3A_34 = arith.constant 0 : i32
    %dma_start3A_35 = arith.constant 0 : i32
    %dma_start3A_36 = tpu.memref_slice %arg3[%dma_start3A_25, %dma_start3A_34, %dma_start3A_35] : memref<16x2048x1408xf32, #tpu.memory_space<any>> -> memref<1x1024x1408xf32, #tpu.memory_space<any>>
    %dma_start3A_37 = tpu.memref_squeeze %dma_start3A_36 : memref<1x1024x1408xf32, #tpu.memory_space<any>> -> memref<1024x1408xf32, #tpu.memory_space<any>>
    tpu.enqueue_dma source(%dma_start3A_37 : memref<1024x1408xf32, #tpu.memory_space<any>>) target(%dma_start3A_33 : memref<1024x1408xf32, #tpu.memory_space<vmem>>) target_semaphore(%dma_start3A_29 : memref<!tpu.dma_semaphore, #tpu.memory_space<semaphore_mem>>)
    %dma_start3A_38 = arith.constant 0 : i32
    %dma_start3A_39 = arith.constant 3 : i32
    %dma_start3A_40 = arith.constant 3 : i32
    %dma_start3A_41 = tpu.memref_slice %arg8[%dma_start3A_40] : memref<7x!tpu.dma_semaphore, #tpu.memory_space<semaphore_mem>> -> memref<1x!tpu.dma_semaphore, #tpu.memory_space<semaphore_mem>>
    %dma_start3A_42 = tpu.memref_squeeze %dma_start3A_41 : memref<1x!tpu.dma_semaphore, #tpu.memory_space<semaphore_mem>> -> memref<!tpu.dma_semaphore, #tpu.memory_space<semaphore_mem>>
    %dma_start3A_43 = arith.constant 0 : i32
    %dma_start3A_44 = arith.constant 0 : i32
    %dma_start3A_45 = tpu.memref_slice %arg6[%dma_start3A_39, %dma_start3A_43, %dma_start3A_44] : memref<7x1024x1408xf32, #tpu.memory_space<vmem>> -> memref<1x1024x1408xf32, #tpu.memory_space<vmem>>
    %dma_start3A_46 = tpu.memref_squeeze %dma_start3A_45 : memref<1x1024x1408xf32, #tpu.memory_space<vmem>> -> memref<1024x1408xf32, #tpu.memory_space<vmem>>
    %dma_start3A_47 = arith.constant 1024 : i32
    %dma_start3A_48 = arith.constant 0 : i32
    %dma_start3A_49 = tpu.memref_slice %arg3[%dma_start3A_38, %dma_start3A_47, %dma_start3A_48] : memref<16x2048x1408xf32, #tpu.memory_space<any>> -> memref<1x1024x1408xf32, #tpu.memory_space<any>>
    %dma_start3A_50 = tpu.memref_squeeze %dma_start3A_49 : memref<1x1024x1408xf32, #tpu.memory_space<any>> -> memref<1024x1408xf32, #tpu.memory_space<any>>
    tpu.enqueue_dma source(%dma_start3A_50 : memref<1024x1408xf32, #tpu.memory_space<any>>) target(%dma_start3A_46 : memref<1024x1408xf32, #tpu.memory_space<vmem>>) target_semaphore(%dma_start3A_42 : memref<!tpu.dma_semaphore, #tpu.memory_space<semaphore_mem>>)
    %dma_start3A_51 = arith.constant 1 : i32
    %dma_start3A_52 = arith.constant 4 : i32
    %dma_start3A_53 = arith.constant 4 : i32
    %dma_start3A_54 = tpu.memref_slice %arg8[%dma_start3A_53] : memref<7x!tpu.dma_semaphore, #tpu.memory_space<semaphore_mem>> -> memref<1x!tpu.dma_semaphore, #tpu.memory_space<semaphore_mem>>
    %dma_start3A_55 = tpu.memref_squeeze %dma_start3A_54 : memref<1x!tpu.dma_semaphore, #tpu.memory_space<semaphore_mem>> -> memref<!tpu.dma_semaphore, #tpu.memory_space<semaphore_mem>>
    %dma_start3A_56 = arith.constant 0 : i32
    %dma_start3A_57 = arith.constant 0 : i32
    %dma_start3A_58 = tpu.memref_slice %arg6[%dma_start3A_52, %dma_start3A_56, %dma_start3A_57] : memref<7x1024x1408xf32, #tpu.memory_space<vmem>> -> memref<1x1024x1408xf32, #tpu.memory_space<vmem>>
    %dma_start3A_59 = tpu.memref_squeeze %dma_start3A_58 : memref<1x1024x1408xf32, #tpu.memory_space<vmem>> -> memref<1024x1408xf32, #tpu.memory_space<vmem>>
    %dma_start3A_60 = arith.constant 0 : i32
    %dma_start3A_61 = arith.constant 0 : i32
    %dma_start3A_62 = tpu.memref_slice %arg2[%dma_start3A_51, %dma_start3A_60, %dma_start3A_61] : memref<16x2048x1408xf32, #tpu.memory_space<any>> -> memref<1x1024x1408xf32, #tpu.memory_space<any>>
    %dma_start3A_63 = tpu.memref_squeeze %dma_start3A_62 : memref<1x1024x1408xf32, #tpu.memory_space<any>> -> memref<1024x1408xf32, #tpu.memory_space<any>>
    tpu.enqueue_dma source(%dma_start3A_63 : memref<1024x1408xf32, #tpu.memory_space<any>>) target(%dma_start3A_59 : memref<1024x1408xf32, #tpu.memory_space<vmem>>) target_semaphore(%dma_start3A_55 : memref<!tpu.dma_semaphore, #tpu.memory_space<semaphore_mem>>)
    %dma_start3A_64 = arith.constant 1 : i32
    %dma_start3A_65 = arith.constant 5 : i32
    %dma_start3A_66 = arith.constant 5 : i32
    %dma_start3A_67 = tpu.memref_slice %arg8[%dma_start3A_66] : memref<7x!tpu.dma_semaphore, #tpu.memory_space<semaphore_mem>> -> memref<1x!tpu.dma_semaphore, #tpu.memory_space<semaphore_mem>>
    %dma_start3A_68 = tpu.memref_squeeze %dma_start3A_67 : memref<1x!tpu.dma_semaphore, #tpu.memory_space<semaphore_mem>> -> memref<!tpu.dma_semaphore, #tpu.memory_space<semaphore_mem>>
    %dma_start3A_69 = arith.constant 0 : i32
    %dma_start3A_70 = arith.constant 0 : i32
    %dma_start3A_71 = tpu.memref_slice %arg6[%dma_start3A_65, %dma_start3A_69, %dma_start3A_70] : memref<7x1024x1408xf32, #tpu.memory_space<vmem>> -> memref<1x1024x1408xf32, #tpu.memory_space<vmem>>
    %dma_start3A_72 = tpu.memref_squeeze %dma_start3A_71 : memref<1x1024x1408xf32, #tpu.memory_space<vmem>> -> memref<1024x1408xf32, #tpu.memory_space<vmem>>
    %dma_start3A_73 = arith.constant 1024 : i32
    %dma_start3A_74 = arith.constant 0 : i32
    %dma_start3A_75 = tpu.memref_slice %arg2[%dma_start3A_64, %dma_start3A_73, %dma_start3A_74] : memref<16x2048x1408xf32, #tpu.memory_space<any>> -> memref<1x1024x1408xf32, #tpu.memory_space<any>>
    %dma_start3A_76 = tpu.memref_squeeze %dma_start3A_75 : memref<1x1024x1408xf32, #tpu.memory_space<any>> -> memref<1024x1408xf32, #tpu.memory_space<any>>
    tpu.enqueue_dma source(%dma_start3A_76 : memref<1024x1408xf32, #tpu.memory_space<any>>) target(%dma_start3A_72 : memref<1024x1408xf32, #tpu.memory_space<vmem>>) target_semaphore(%dma_start3A_68 : memref<!tpu.dma_semaphore, #tpu.memory_space<semaphore_mem>>)
    %dma_start3A_77 = arith.constant 1 : i32
    %dma_start3A_78 = arith.constant 6 : i32
    %dma_start3A_79 = arith.constant 6 : i32
    %dma_start3A_80 = tpu.memref_slice %arg8[%dma_start3A_79] : memref<7x!tpu.dma_semaphore, #tpu.memory_space<semaphore_mem>> -> memref<1x!tpu.dma_semaphore, #tpu.memory_space<semaphore_mem>>
    %dma_start3A_81 = tpu.memref_squeeze %dma_start3A_80 : memref<1x!tpu.dma_semaphore, #tpu.memory_space<semaphore_mem>> -> memref<!tpu.dma_semaphore, #tpu.memory_space<semaphore_mem>>
    %dma_start3A_82 = arith.constant 0 : i32
    %dma_start3A_83 = arith.constant 0 : i32
    %dma_start3A_84 = tpu.memref_slice %arg6[%dma_start3A_78, %dma_start3A_82, %dma_start3A_83] : memref<7x1024x1408xf32, #tpu.memory_space<vmem>> -> memref<1x1024x1408xf32, #tpu.memory_space<vmem>>
    %dma_start3A_85 = tpu.memref_squeeze %dma_start3A_84 : memref<1x1024x1408xf32, #tpu.memory_space<vmem>> -> memref<1024x1408xf32, #tpu.memory_space<vmem>>
    %dma_start3A_86 = arith.constant 0 : i32
    %dma_start3A_87 = arith.constant 0 : i32
    %dma_start3A_88 = tpu.memref_slice %arg3[%dma_start3A_77, %dma_start3A_86, %dma_start3A_87] : memref<16x2048x1408xf32, #tpu.memory_space<any>> -> memref<1x1024x1408xf32, #tpu.memory_space<any>>
    %dma_start3A_89 = tpu.memref_squeeze %dma_start3A_88 : memref<1x1024x1408xf32, #tpu.memory_space<any>> -> memref<1024x1408xf32, #tpu.memory_space<any>>
    tpu.enqueue_dma source(%dma_start3A_89 : memref<1024x1408xf32, #tpu.memory_space<any>>) target(%dma_start3A_85 : memref<1024x1408xf32, #tpu.memory_space<vmem>>) target_semaphore(%dma_start3A_81 : memref<!tpu.dma_semaphore, #tpu.memory_space<semaphore_mem>>)
    %dma_start3A_90 = arith.constant 0 : i32
    %dma_start3A_91 = arith.constant 0 : i32
    %dma_start3A_92 = arith.constant 0 : i32
    %dma_start3A_93 = tpu.memref_slice %arg9[%dma_start3A_92] : memref<3x!tpu.dma_semaphore, #tpu.memory_space<semaphore_mem>> -> memref<1x!tpu.dma_semaphore, #tpu.memory_space<semaphore_mem>>
    %dma_start3A_94 = tpu.memref_squeeze %dma_start3A_93 : memref<1x!tpu.dma_semaphore, #tpu.memory_space<semaphore_mem>> -> memref<!tpu.dma_semaphore, #tpu.memory_space<semaphore_mem>>
    %dma_start3A_95 = arith.constant 0 : i32
    %dma_start3A_96 = arith.constant 0 : i32
    %dma_start3A_97 = tpu.memref_slice %arg7[%dma_start3A_91, %dma_start3A_95, %dma_start3A_96] : memref<3x704x2048xf32, #tpu.memory_space<vmem>> -> memref<1x704x2048xf32, #tpu.memory_space<vmem>>
    %dma_start3A_98 = tpu.memref_squeeze %dma_start3A_97 : memref<1x704x2048xf32, #tpu.memory_space<vmem>> -> memref<704x2048xf32, #tpu.memory_space<vmem>>
    %dma_start3A_99 = arith.constant 0 : i32
    %dma_start3A_100 = arith.constant 0 : i32
    %dma_start3A_101 = tpu.memref_slice %arg4[%dma_start3A_90, %dma_start3A_99, %dma_start3A_100] : memref<16x1408x2048xf32, #tpu.memory_space<any>> -> memref<1x704x2048xf32, #tpu.memory_space<any>>
    %dma_start3A_102 = tpu.memref_squeeze %dma_start3A_101 : memref<1x704x2048xf32, #tpu.memory_space<any>> -> memref<704x2048xf32, #tpu.memory_space<any>>
    tpu.enqueue_dma source(%dma_start3A_102 : memref<704x2048xf32, #tpu.memory_space<any>>) target(%dma_start3A_98 : memref<704x2048xf32, #tpu.memory_space<vmem>>) target_semaphore(%dma_start3A_94 : memref<!tpu.dma_semaphore, #tpu.memory_space<semaphore_mem>>)
    %dma_start3A_103 = arith.constant 0 : i32
    %dma_start3A_104 = arith.constant 1 : i32
    %dma_start3A_105 = arith.constant 1 : i32
    %dma_start3A_106 = tpu.memref_slice %arg9[%dma_start3A_105] : memref<3x!tpu.dma_semaphore, #tpu.memory_space<semaphore_mem>> -> memref<1x!tpu.dma_semaphore, #tpu.memory_space<semaphore_mem>>
    %dma_start3A_107 = tpu.memref_squeeze %dma_start3A_106 : memref<1x!tpu.dma_semaphore, #tpu.memory_space<semaphore_mem>> -> memref<!tpu.dma_semaphore, #tpu.memory_space<semaphore_mem>>
    %dma_start3A_108 = arith.constant 0 : i32
    %dma_start3A_109 = arith.constant 0 : i32
    %dma_start3A_110 = tpu.memref_slice %arg7[%dma_start3A_104, %dma_start3A_108, %dma_start3A_109] : memref<3x704x2048xf32, #tpu.memory_space<vmem>> -> memref<1x704x2048xf32, #tpu.memory_space<vmem>>
    %dma_start3A_111 = tpu.memref_squeeze %dma_start3A_110 : memref<1x704x2048xf32, #tpu.memory_space<vmem>> -> memref<704x2048xf32, #tpu.memory_space<vmem>>
    %dma_start3A_112 = arith.constant 704 : i32
    %dma_start3A_113 = arith.constant 0 : i32
    %dma_start3A_114 = tpu.memref_slice %arg4[%dma_start3A_103, %dma_start3A_112, %dma_start3A_113] : memref<16x1408x2048xf32, #tpu.memory_space<any>> -> memref<1x704x2048xf32, #tpu.memory_space<any>>
    %dma_start3A_115 = tpu.memref_squeeze %dma_start3A_114 : memref<1x704x2048xf32, #tpu.memory_space<any>> -> memref<704x2048xf32, #tpu.memory_space<any>>
    tpu.enqueue_dma source(%dma_start3A_115 : memref<704x2048xf32, #tpu.memory_space<any>>) target(%dma_start3A_111 : memref<704x2048xf32, #tpu.memory_space<vmem>>) target_semaphore(%dma_start3A_107 : memref<!tpu.dma_semaphore, #tpu.memory_space<semaphore_mem>>)
    %dma_start3A_116 = arith.constant 1 : i32
    %dma_start3A_117 = arith.constant 2 : i32
    %dma_start3A_118 = arith.constant 2 : i32
    %dma_start3A_119 = tpu.memref_slice %arg9[%dma_start3A_118] : memref<3x!tpu.dma_semaphore, #tpu.memory_space<semaphore_mem>> -> memref<1x!tpu.dma_semaphore, #tpu.memory_space<semaphore_mem>>
    %dma_start3A_120 = tpu.memref_squeeze %dma_start3A_119 : memref<1x!tpu.dma_semaphore, #tpu.memory_space<semaphore_mem>> -> memref<!tpu.dma_semaphore, #tpu.memory_space<semaphore_mem>>
    %dma_start3A_121 = arith.constant 0 : i32
    %dma_start3A_122 = arith.constant 0 : i32
    %dma_start3A_123 = tpu.memref_slice %arg7[%dma_start3A_117, %dma_start3A_121, %dma_start3A_122] : memref<3x704x2048xf32, #tpu.memory_space<vmem>> -> memref<1x704x2048xf32, #tpu.memory_space<vmem>>
    %dma_start3A_124 = tpu.memref_squeeze %dma_start3A_123 : memref<1x704x2048xf32, #tpu.memory_space<vmem>> -> memref<704x2048xf32, #tpu.memory_space<vmem>>
    %dma_start3A_125 = arith.constant 0 : i32
    %dma_start3A_126 = arith.constant 0 : i32
    %dma_start3A_127 = tpu.memref_slice %arg4[%dma_start3A_116, %dma_start3A_125, %dma_start3A_126] : memref<16x1408x2048xf32, #tpu.memory_space<any>> -> memref<1x704x2048xf32, #tpu.memory_space<any>>
    %dma_start3A_128 = tpu.memref_squeeze %dma_start3A_127 : memref<1x704x2048xf32, #tpu.memory_space<any>> -> memref<704x2048xf32, #tpu.memory_space<any>>
    tpu.enqueue_dma source(%dma_start3A_128 : memref<704x2048xf32, #tpu.memory_space<any>>) target(%dma_start3A_124 : memref<704x2048xf32, #tpu.memory_space<vmem>>) target_semaphore(%dma_start3A_120 : memref<!tpu.dma_semaphore, #tpu.memory_space<semaphore_mem>>)
    %get3A = arith.constant 0 : index
    %get3A_129 = arith.constant 0 : index
    %get3A_130 = vector.load %arg0[%get3A, %get3A_129] : memref<32x2048xf32, #tpu.memory_space<vmem>>, vector<32x2048xf32>
    %slice3A = vector.extract_strided_slice %get3A_130 {offsets = [0, 0], sizes = [32, 1024], strides = [1, 1]} : vector<32x2048xf32> to vector<32x1024xf32>
    %slice3A_131 = vector.extract_strided_slice %get3A_130 {offsets = [0, 1024], sizes = [32, 1024], strides = [1, 1]} : vector<32x2048xf32> to vector<32x1024xf32>
    %get3A_132 = arith.constant 0 : index
    %get3A_133 = arith.constant 0 : index
    %get3A_134 = vector.load %arg1[%get3A_132, %get3A_133] : memref<32x16xf32, #tpu.memory_space<vmem>>, vector<32x16xf32>
    %broadcast_in_dim3A = arith.constant 0.000000e+00 : f32
    %broadcast_in_dim3A_135 = vector.broadcast %broadcast_in_dim3A : f32 to vector<32x2048xf32>
    %swap3A = arith.constant 0 : index
    %swap3A_136 = arith.constant 0 : index
    %swap3A_137 = vector.load %arg5[%swap3A, %swap3A_136] : memref<32x2048xf32, #tpu.memory_space<vmem>>, vector<32x2048xf32>
    tpu.vector_store %arg5[%swap3A, %swap3A_136], %broadcast_in_dim3A_135 {strides = array<i32>} : memref<32x2048xf32, #tpu.memory_space<vmem>>, vector<32x2048xf32>,
    %scan3A = arith.constant 0 : i32
    %scan3A_138 = arith.constant 16 : i32
    %scan3A_139 = arith.addi %scan3A, %scan3A_138 : i32
    %scan3A_140 = arith.constant 1 : i32
    scf.for %scan3A_142 = %scan3A to %scan3A_139 step %scan3A_140  : i32 {
      %mul3A = arith.constant 4 : i32
      %mul3A_143 = arith.muli %mul3A, %scan3A_142 : i32
      %add3A = arith.constant 0 : i32
      %add3A_144 = arith.addi %mul3A_143, %add3A : i32
      %rem3A = arith.constant 7 : i32
      %rem3A_145 = arith.remsi %add3A_144, %rem3A : i32
      %dma_wait3A = tpu.memref_slice %arg8[%rem3A_145] : memref<7x!tpu.dma_semaphore, #tpu.memory_space<semaphore_mem>> -> memref<1x!tpu.dma_semaphore, #tpu.memory_space<semaphore_mem>>
      %dma_wait3A_146 = tpu.memref_squeeze %dma_wait3A : memref<1x!tpu.dma_semaphore, #tpu.memory_space<semaphore_mem>> -> memref<!tpu.dma_semaphore, #tpu.memory_space<semaphore_mem>>
      %dma_wait3A_147 = arith.constant 0 : i32
      %dma_wait3A_148 = arith.constant 0 : i32
      %dma_wait3A_149 = tpu.memref_slice %arg6[%rem3A_145, %dma_wait3A_147, %dma_wait3A_148] : memref<7x1024x1408xf32, #tpu.memory_space<vmem>> -> memref<1x1024x1408xf32, #tpu.memory_space<vmem>>
      %dma_wait3A_150 = tpu.memref_squeeze %dma_wait3A_149 : memref<1x1024x1408xf32, #tpu.memory_space<vmem>> -> memref<1024x1408xf32, #tpu.memory_space<vmem>>
      %dma_wait3A_151 = arith.constant 0 : i32
      %dma_wait3A_152 = arith.constant 0 : i32
      %dma_wait3A_153 = tpu.memref_slice %arg6[%rem3A_145, %dma_wait3A_151, %dma_wait3A_152] : memref<7x1024x1408xf32, #tpu.memory_space<vmem>> -> memref<1x1024x1408xf32, #tpu.memory_space<vmem>>
      %dma_wait3A_154 = tpu.memref_squeeze %dma_wait3A_153 : memref<1x1024x1408xf32, #tpu.memory_space<vmem>> -> memref<1024x1408xf32, #tpu.memory_space<vmem>>
      tpu.wait_dma2 semaphore(%dma_wait3A_146 : memref<!tpu.dma_semaphore, #tpu.memory_space<semaphore_mem>>) src(%dma_wait3A_154 : memref<1024x1408xf32, #tpu.memory_space<vmem>>) dst(%dma_wait3A_150 : memref<1024x1408xf32, #tpu.memory_space<vmem>>)
      %get3A_155 = arith.index_cast %rem3A_145 : i32 to index
      %get3A_156 = arith.constant 0 : index
      %get3A_157 = arith.constant 0 : index
      %get3A_158 = vector.load %arg6[%get3A_155, %get3A_156, %get3A_157] : memref<7x1024x1408xf32, #tpu.memory_space<vmem>>, vector<1x1024x1408xf32>
      %get3A_159 = vector.shape_cast %get3A_158 : vector<1x1024x1408xf32> to vector<1024x1408xf32>
      %dot_general3A = arith.constant dense<0.000000e+00> : vector<32x1408xf32>
      %dot_general3A_160 = tpu.matmul %slice3A, %get3A_159, %dot_general3A {dimension_numbers = #tpu.dot_dimension_numbers<[1], [0], [0], [1], [0, 0, 1, 1], [], []>, transpose_lhs_hint = false} : vector<32x1024xf32>, vector<1024x1408xf32>, vector<32x1408xf32> -> vector<32x1408xf32>
      %add3A_161 = arith.constant 1 : i32
      %add3A_162 = arith.addi %scan3A_142, %add3A_161 : i32
      %lt3A = arith.constant 16 : i32
      %lt3A_163 = arith.cmpi slt, %add3A_162, %lt3A : i32
      %convert_element_type3A = arith.extui %lt3A_163 : i1 to i32
      %cond3A = arith.constant 0 : i32
      %cond3A_164 = arith.cmpi ne, %convert_element_type3A, %cond3A : i32
      scf.if %cond3A_164 {
        %dma_start3A_346 = tpu.memref_slice %arg8[%rem3A_145] : memref<7x!tpu.dma_semaphore, #tpu.memory_space<semaphore_mem>> -> memref<1x!tpu.dma_semaphore, #tpu.memory_space<semaphore_mem>>
        %dma_start3A_347 = tpu.memref_squeeze %dma_start3A_346 : memref<1x!tpu.dma_semaphore, #tpu.memory_space<semaphore_mem>> -> memref<!tpu.dma_semaphore, #tpu.memory_space<semaphore_mem>>
        %dma_start3A_348 = arith.constant 0 : i32
        %dma_start3A_349 = arith.constant 0 : i32
        %dma_start3A_350 = tpu.memref_slice %arg6[%rem3A_145, %dma_start3A_348, %dma_start3A_349] : memref<7x1024x1408xf32, #tpu.memory_space<vmem>> -> memref<1x1024x1408xf32, #tpu.memory_space<vmem>>
        %dma_start3A_351 = tpu.memref_squeeze %dma_start3A_350 : memref<1x1024x1408xf32, #tpu.memory_space<vmem>> -> memref<1024x1408xf32, #tpu.memory_space<vmem>>
        %dma_start3A_352 = arith.constant 1024 : i32
        %dma_start3A_353 = arith.constant 0 : i32
        %dma_start3A_354 = tpu.memref_slice %arg3[%add3A_162, %dma_start3A_352, %dma_start3A_353] : memref<16x2048x1408xf32, #tpu.memory_space<any>> -> memref<1x1024x1408xf32, #tpu.memory_space<any>>
        %dma_start3A_355 = tpu.memref_squeeze %dma_start3A_354 : memref<1x1024x1408xf32, #tpu.memory_space<any>> -> memref<1024x1408xf32, #tpu.memory_space<any>>
        tpu.enqueue_dma source(%dma_start3A_355 : memref<1024x1408xf32, #tpu.memory_space<any>>) target(%dma_start3A_351 : memref<1024x1408xf32, #tpu.memory_space<vmem>>) target_semaphore(%dma_start3A_347 : memref<!tpu.dma_semaphore, #tpu.memory_space<semaphore_mem>>)
      } else {
      }
      %mul3A_165 = arith.constant 4 : i32
      %mul3A_166 = arith.muli %mul3A_165, %scan3A_142 : i32
      %add3A_167 = arith.constant 1 : i32
      %add3A_168 = arith.addi %mul3A_166, %add3A_167 : i32
      %rem3A_169 = arith.constant 7 : i32
      %rem3A_170 = arith.remsi %add3A_168, %rem3A_169 : i32
      %dma_wait3A_171 = tpu.memref_slice %arg8[%rem3A_170] : memref<7x!tpu.dma_semaphore, #tpu.memory_space<semaphore_mem>> -> memref<1x!tpu.dma_semaphore, #tpu.memory_space<semaphore_mem>>
      %dma_wait3A_172 = tpu.memref_squeeze %dma_wait3A_171 : memref<1x!tpu.dma_semaphore, #tpu.memory_space<semaphore_mem>> -> memref<!tpu.dma_semaphore, #tpu.memory_space<semaphore_mem>>
      %dma_wait3A_173 = arith.constant 0 : i32
      %dma_wait3A_174 = arith.constant 0 : i32
      %dma_wait3A_175 = tpu.memref_slice %arg6[%rem3A_170, %dma_wait3A_173, %dma_wait3A_174] : memref<7x1024x1408xf32, #tpu.memory_space<vmem>> -> memref<1x1024x1408xf32, #tpu.memory_space<vmem>>
      %dma_wait3A_176 = tpu.memref_squeeze %dma_wait3A_175 : memref<1x1024x1408xf32, #tpu.memory_space<vmem>> -> memref<1024x1408xf32, #tpu.memory_space<vmem>>
      %dma_wait3A_177 = arith.constant 0 : i32
      %dma_wait3A_178 = arith.constant 0 : i32
      %dma_wait3A_179 = tpu.memref_slice %arg6[%rem3A_170, %dma_wait3A_177, %dma_wait3A_178] : memref<7x1024x1408xf32, #tpu.memory_space<vmem>> -> memref<1x1024x1408xf32, #tpu.memory_space<vmem>>
      %dma_wait3A_180 = tpu.memref_squeeze %dma_wait3A_179 : memref<1x1024x1408xf32, #tpu.memory_space<vmem>> -> memref<1024x1408xf32, #tpu.memory_space<vmem>>
      tpu.wait_dma2 semaphore(%dma_wait3A_172 : memref<!tpu.dma_semaphore, #tpu.memory_space<semaphore_mem>>) src(%dma_wait3A_180 : memref<1024x1408xf32, #tpu.memory_space<vmem>>) dst(%dma_wait3A_176 : memref<1024x1408xf32, #tpu.memory_space<vmem>>)
      %get3A_181 = arith.index_cast %rem3A_170 : i32 to index
      %get3A_182 = arith.constant 0 : index
      %get3A_183 = arith.constant 0 : index
      %get3A_184 = vector.load %arg6[%get3A_181, %get3A_182, %get3A_183] : memref<7x1024x1408xf32, #tpu.memory_space<vmem>>, vector<1x1024x1408xf32>
      %get3A_185 = vector.shape_cast %get3A_184 : vector<1x1024x1408xf32> to vector<1024x1408xf32>
      %dot_general3A_186 = arith.constant dense<0.000000e+00> : vector<32x1408xf32>
      %dot_general3A_187 = tpu.matmul %slice3A_131, %get3A_185, %dot_general3A_186 {dimension_numbers = #tpu.dot_dimension_numbers<[1], [0], [0], [1], [0, 0, 1, 1], [], []>, transpose_lhs_hint = false} : vector<32x1024xf32>, vector<1024x1408xf32>, vector<32x1408xf32> -> vector<32x1408xf32>
      %add3A_188 = arith.constant 2 : i32
      %add3A_189 = arith.addi %scan3A_142, %add3A_188 : i32
      %lt3A_190 = arith.constant 16 : i32
      %lt3A_191 = arith.cmpi slt, %add3A_189, %lt3A_190 : i32
      %convert_element_type3A_192 = arith.extui %lt3A_191 : i1 to i32
      %cond3A_193 = arith.constant 0 : i32
      %cond3A_194 = arith.cmpi ne, %convert_element_type3A_192, %cond3A_193 : i32
      scf.if %cond3A_194 {
        %dma_start3A_346 = tpu.memref_slice %arg8[%rem3A_170] : memref<7x!tpu.dma_semaphore, #tpu.memory_space<semaphore_mem>> -> memref<1x!tpu.dma_semaphore, #tpu.memory_space<semaphore_mem>>
        %dma_start3A_347 = tpu.memref_squeeze %dma_start3A_346 : memref<1x!tpu.dma_semaphore, #tpu.memory_space<semaphore_mem>> -> memref<!tpu.dma_semaphore, #tpu.memory_space<semaphore_mem>>
        %dma_start3A_348 = arith.constant 0 : i32
        %dma_start3A_349 = arith.constant 0 : i32
        %dma_start3A_350 = tpu.memref_slice %arg6[%rem3A_170, %dma_start3A_348, %dma_start3A_349] : memref<7x1024x1408xf32, #tpu.memory_space<vmem>> -> memref<1x1024x1408xf32, #tpu.memory_space<vmem>>
        %dma_start3A_351 = tpu.memref_squeeze %dma_start3A_350 : memref<1x1024x1408xf32, #tpu.memory_space<vmem>> -> memref<1024x1408xf32, #tpu.memory_space<vmem>>
        %dma_start3A_352 = arith.constant 0 : i32
        %dma_start3A_353 = arith.constant 0 : i32
        %dma_start3A_354 = tpu.memref_slice %arg2[%add3A_189, %dma_start3A_352, %dma_start3A_353] : memref<16x2048x1408xf32, #tpu.memory_space<any>> -> memref<1x1024x1408xf32, #tpu.memory_space<any>>
        %dma_start3A_355 = tpu.memref_squeeze %dma_start3A_354 : memref<1x1024x1408xf32, #tpu.memory_space<any>> -> memref<1024x1408xf32, #tpu.memory_space<any>>
        tpu.enqueue_dma source(%dma_start3A_355 : memref<1024x1408xf32, #tpu.memory_space<any>>) target(%dma_start3A_351 : memref<1024x1408xf32, #tpu.memory_space<vmem>>) target_semaphore(%dma_start3A_347 : memref<!tpu.dma_semaphore, #tpu.memory_space<semaphore_mem>>)
      } else {
      }
      %add3A_195 = arith.addf %dot_general3A_160, %dot_general3A_187 : vector<32x1408xf32>
      %mul3A_196 = arith.constant 4 : i32
      %mul3A_197 = arith.muli %mul3A_196, %scan3A_142 : i32
      %add3A_198 = arith.constant 2 : i32
      %add3A_199 = arith.addi %mul3A_197, %add3A_198 : i32
      %rem3A_200 = arith.constant 7 : i32
      %rem3A_201 = arith.remsi %add3A_199, %rem3A_200 : i32
      %dma_wait3A_202 = tpu.memref_slice %arg8[%rem3A_201] : memref<7x!tpu.dma_semaphore, #tpu.memory_space<semaphore_mem>> -> memref<1x!tpu.dma_semaphore, #tpu.memory_space<semaphore_mem>>
      %dma_wait3A_203 = tpu.memref_squeeze %dma_wait3A_202 : memref<1x!tpu.dma_semaphore, #tpu.memory_space<semaphore_mem>> -> memref<!tpu.dma_semaphore, #tpu.memory_space<semaphore_mem>>
      %dma_wait3A_204 = arith.constant 0 : i32
      %dma_wait3A_205 = arith.constant 0 : i32
      %dma_wait3A_206 = tpu.memref_slice %arg6[%rem3A_201, %dma_wait3A_204, %dma_wait3A_205] : memref<7x1024x1408xf32, #tpu.memory_space<vmem>> -> memref<1x1024x1408xf32, #tpu.memory_space<vmem>>
      %dma_wait3A_207 = tpu.memref_squeeze %dma_wait3A_206 : memref<1x1024x1408xf32, #tpu.memory_space<vmem>> -> memref<1024x1408xf32, #tpu.memory_space<vmem>>
      %dma_wait3A_208 = arith.constant 0 : i32
      %dma_wait3A_209 = arith.constant 0 : i32
      %dma_wait3A_210 = tpu.memref_slice %arg6[%rem3A_201, %dma_wait3A_208, %dma_wait3A_209] : memref<7x1024x1408xf32, #tpu.memory_space<vmem>> -> memref<1x1024x1408xf32, #tpu.memory_space<vmem>>
      %dma_wait3A_211 = tpu.memref_squeeze %dma_wait3A_210 : memref<1x1024x1408xf32, #tpu.memory_space<vmem>> -> memref<1024x1408xf32, #tpu.memory_space<vmem>>
      tpu.wait_dma2 semaphore(%dma_wait3A_203 : memref<!tpu.dma_semaphore, #tpu.memory_space<semaphore_mem>>) src(%dma_wait3A_211 : memref<1024x1408xf32, #tpu.memory_space<vmem>>) dst(%dma_wait3A_207 : memref<1024x1408xf32, #tpu.memory_space<vmem>>)
      %get3A_212 = arith.index_cast %rem3A_201 : i32 to index
      %get3A_213 = arith.constant 0 : index
      %get3A_214 = arith.constant 0 : index
      %get3A_215 = vector.load %arg6[%get3A_212, %get3A_213, %get3A_214] : memref<7x1024x1408xf32, #tpu.memory_space<vmem>>, vector<1x1024x1408xf32>
      %get3A_216 = vector.shape_cast %get3A_215 : vector<1x1024x1408xf32> to vector<1024x1408xf32>
      %dot_general3A_217 = arith.constant dense<0.000000e+00> : vector<32x1408xf32>
      %dot_general3A_218 = tpu.matmul %slice3A, %get3A_216, %dot_general3A_217 {dimension_numbers = #tpu.dot_dimension_numbers<[1], [0], [0], [1], [0, 0, 1, 1], [], []>, transpose_lhs_hint = false} : vector<32x1024xf32>, vector<1024x1408xf32>, vector<32x1408xf32> -> vector<32x1408xf32>
      %add3A_219 = arith.constant 2 : i32
      %add3A_220 = arith.addi %scan3A_142, %add3A_219 : i32
      %lt3A_221 = arith.constant 16 : i32
      %lt3A_222 = arith.cmpi slt, %add3A_220, %lt3A_221 : i32
      %convert_element_type3A_223 = arith.extui %lt3A_222 : i1 to i32
      %cond3A_224 = arith.constant 0 : i32
      %cond3A_225 = arith.cmpi ne, %convert_element_type3A_223, %cond3A_224 : i32
      scf.if %cond3A_225 {
        %dma_start3A_346 = tpu.memref_slice %arg8[%rem3A_201] : memref<7x!tpu.dma_semaphore, #tpu.memory_space<semaphore_mem>> -> memref<1x!tpu.dma_semaphore, #tpu.memory_space<semaphore_mem>>
        %dma_start3A_347 = tpu.memref_squeeze %dma_start3A_346 : memref<1x!tpu.dma_semaphore, #tpu.memory_space<semaphore_mem>> -> memref<!tpu.dma_semaphore, #tpu.memory_space<semaphore_mem>>
        %dma_start3A_348 = arith.constant 0 : i32
        %dma_start3A_349 = arith.constant 0 : i32
        %dma_start3A_350 = tpu.memref_slice %arg6[%rem3A_201, %dma_start3A_348, %dma_start3A_349] : memref<7x1024x1408xf32, #tpu.memory_space<vmem>> -> memref<1x1024x1408xf32, #tpu.memory_space<vmem>>
        %dma_start3A_351 = tpu.memref_squeeze %dma_start3A_350 : memref<1x1024x1408xf32, #tpu.memory_space<vmem>> -> memref<1024x1408xf32, #tpu.memory_space<vmem>>
        %dma_start3A_352 = arith.constant 1024 : i32
        %dma_start3A_353 = arith.constant 0 : i32
        %dma_start3A_354 = tpu.memref_slice %arg2[%add3A_220, %dma_start3A_352, %dma_start3A_353] : memref<16x2048x1408xf32, #tpu.memory_space<any>> -> memref<1x1024x1408xf32, #tpu.memory_space<any>>
        %dma_start3A_355 = tpu.memref_squeeze %dma_start3A_354 : memref<1x1024x1408xf32, #tpu.memory_space<any>> -> memref<1024x1408xf32, #tpu.memory_space<any>>
        tpu.enqueue_dma source(%dma_start3A_355 : memref<1024x1408xf32, #tpu.memory_space<any>>) target(%dma_start3A_351 : memref<1024x1408xf32, #tpu.memory_space<vmem>>) target_semaphore(%dma_start3A_347 : memref<!tpu.dma_semaphore, #tpu.memory_space<semaphore_mem>>)
      } else {
      }
      %mul3A_226 = arith.constant 4 : i32
      %mul3A_227 = arith.muli %mul3A_226, %scan3A_142 : i32
      %add3A_228 = arith.constant 3 : i32
      %add3A_229 = arith.addi %mul3A_227, %add3A_228 : i32
      %rem3A_230 = arith.constant 7 : i32
      %rem3A_231 = arith.remsi %add3A_229, %rem3A_230 : i32
      %dma_wait3A_232 = tpu.memref_slice %arg8[%rem3A_231] : memref<7x!tpu.dma_semaphore, #tpu.memory_space<semaphore_mem>> -> memref<1x!tpu.dma_semaphore, #tpu.memory_space<semaphore_mem>>
      %dma_wait3A_233 = tpu.memref_squeeze %dma_wait3A_232 : memref<1x!tpu.dma_semaphore, #tpu.memory_space<semaphore_mem>> -> memref<!tpu.dma_semaphore, #tpu.memory_space<semaphore_mem>>
      %dma_wait3A_234 = arith.constant 0 : i32
      %dma_wait3A_235 = arith.constant 0 : i32
      %dma_wait3A_236 = tpu.memref_slice %arg6[%rem3A_231, %dma_wait3A_234, %dma_wait3A_235] : memref<7x1024x1408xf32, #tpu.memory_space<vmem>> -> memref<1x1024x1408xf32, #tpu.memory_space<vmem>>
      %dma_wait3A_237 = tpu.memref_squeeze %dma_wait3A_236 : memref<1x1024x1408xf32, #tpu.memory_space<vmem>> -> memref<1024x1408xf32, #tpu.memory_space<vmem>>
      %dma_wait3A_238 = arith.constant 0 : i32
      %dma_wait3A_239 = arith.constant 0 : i32
      %dma_wait3A_240 = tpu.memref_slice %arg6[%rem3A_231, %dma_wait3A_238, %dma_wait3A_239] : memref<7x1024x1408xf32, #tpu.memory_space<vmem>> -> memref<1x1024x1408xf32, #tpu.memory_space<vmem>>
      %dma_wait3A_241 = tpu.memref_squeeze %dma_wait3A_240 : memref<1x1024x1408xf32, #tpu.memory_space<vmem>> -> memref<1024x1408xf32, #tpu.memory_space<vmem>>
      tpu.wait_dma2 semaphore(%dma_wait3A_233 : memref<!tpu.dma_semaphore, #tpu.memory_space<semaphore_mem>>) src(%dma_wait3A_241 : memref<1024x1408xf32, #tpu.memory_space<vmem>>) dst(%dma_wait3A_237 : memref<1024x1408xf32, #tpu.memory_space<vmem>>)
      %get3A_242 = arith.index_cast %rem3A_231 : i32 to index
      %get3A_243 = arith.constant 0 : index
      %get3A_244 = arith.constant 0 : index
      %get3A_245 = vector.load %arg6[%get3A_242, %get3A_243, %get3A_244] : memref<7x1024x1408xf32, #tpu.memory_space<vmem>>, vector<1x1024x1408xf32>
      %get3A_246 = vector.shape_cast %get3A_245 : vector<1x1024x1408xf32> to vector<1024x1408xf32>
      %dot_general3A_247 = arith.constant dense<0.000000e+00> : vector<32x1408xf32>
      %dot_general3A_248 = tpu.matmul %slice3A_131, %get3A_246, %dot_general3A_247 {dimension_numbers = #tpu.dot_dimension_numbers<[1], [0], [0], [1], [0, 0, 1, 1], [], []>, transpose_lhs_hint = false} : vector<32x1024xf32>, vector<1024x1408xf32>, vector<32x1408xf32> -> vector<32x1408xf32>
      %add3A_249 = arith.constant 2 : i32
      %add3A_250 = arith.addi %scan3A_142, %add3A_249 : i32
      %lt3A_251 = arith.constant 16 : i32
      %lt3A_252 = arith.cmpi slt, %add3A_250, %lt3A_251 : i32
      %convert_element_type3A_253 = arith.extui %lt3A_252 : i1 to i32
      %cond3A_254 = arith.constant 0 : i32
      %cond3A_255 = arith.cmpi ne, %convert_element_type3A_253, %cond3A_254 : i32
      scf.if %cond3A_255 {
        %dma_start3A_346 = tpu.memref_slice %arg8[%rem3A_231] : memref<7x!tpu.dma_semaphore, #tpu.memory_space<semaphore_mem>> -> memref<1x!tpu.dma_semaphore, #tpu.memory_space<semaphore_mem>>
        %dma_start3A_347 = tpu.memref_squeeze %dma_start3A_346 : memref<1x!tpu.dma_semaphore, #tpu.memory_space<semaphore_mem>> -> memref<!tpu.dma_semaphore, #tpu.memory_space<semaphore_mem>>
        %dma_start3A_348 = arith.constant 0 : i32
        %dma_start3A_349 = arith.constant 0 : i32
        %dma_start3A_350 = tpu.memref_slice %arg6[%rem3A_231, %dma_start3A_348, %dma_start3A_349] : memref<7x1024x1408xf32, #tpu.memory_space<vmem>> -> memref<1x1024x1408xf32, #tpu.memory_space<vmem>>
        %dma_start3A_351 = tpu.memref_squeeze %dma_start3A_350 : memref<1x1024x1408xf32, #tpu.memory_space<vmem>> -> memref<1024x1408xf32, #tpu.memory_space<vmem>>
        %dma_start3A_352 = arith.constant 0 : i32
        %dma_start3A_353 = arith.constant 0 : i32
        %dma_start3A_354 = tpu.memref_slice %arg3[%add3A_250, %dma_start3A_352, %dma_start3A_353] : memref<16x2048x1408xf32, #tpu.memory_space<any>> -> memref<1x1024x1408xf32, #tpu.memory_space<any>>
        %dma_start3A_355 = tpu.memref_squeeze %dma_start3A_354 : memref<1x1024x1408xf32, #tpu.memory_space<any>> -> memref<1024x1408xf32, #tpu.memory_space<any>>
        tpu.enqueue_dma source(%dma_start3A_355 : memref<1024x1408xf32, #tpu.memory_space<any>>) target(%dma_start3A_351 : memref<1024x1408xf32, #tpu.memory_space<vmem>>) target_semaphore(%dma_start3A_347 : memref<!tpu.dma_semaphore, #tpu.memory_space<semaphore_mem>>)
      } else {
      }
      %add3A_256 = arith.addf %dot_general3A_218, %dot_general3A_248 : vector<32x1408xf32>
      %iota3A = tpu.iota {dimensions = array<i32: 1>} : vector<32x16xi32>
      %eq3A = vector.broadcast %scan3A_142 : i32 to vector<32x16xi32>
      %eq3A_257 = arith.cmpi eq, %iota3A, %eq3A : vector<32x16xi32>
      %jit3A = arith.constant 0.000000e+00 : f32
      %broadcast_in_dim3A_258 = vector.broadcast %jit3A : f32 to vector<32x16xf32>
      %select_n3A = arith.select %eq3A_257, %get3A_134, %broadcast_in_dim3A_258 : vector<32x16xi1>, vector<32x16xf32>
      %reduce_sum3A = arith.constant dense<0.000000e+00> : vector<32xf32>
      %reduce_sum3A_259 = vector.multi_reduction <add>, %select_n3A, %reduce_sum3A [1] : vector<32x16xf32> to vector<32xf32>
      %broadcast_in_dim3A_260 = vector.shape_cast %reduce_sum3A_259 : vector<32xf32> to vector<32x1xf32>
      %logistic3A = arith.negf %add3A_195 : vector<32x1408xf32>
      %logistic3A_261 = math.exp %logistic3A : vector<32x1408xf32>
      %logistic3A_262 = arith.constant 1.000000e+00 : f32
      %logistic3A_263 = vector.broadcast %logistic3A_262 : f32 to vector<32x1408xf32>
      %logistic3A_264 = arith.addf %logistic3A_263, %logistic3A_261 : vector<32x1408xf32>
      %logistic3A_265 = arith.divf %logistic3A_263, %logistic3A_264 : vector<32x1408xf32>
      %mul3A_266 = arith.mulf %add3A_195, %logistic3A_265 : vector<32x1408xf32>
      %mul3A_267 = arith.mulf %mul3A_266, %add3A_256 : vector<32x1408xf32>
      %mul3A_268 = vector.broadcast %broadcast_in_dim3A_260 : vector<32x1xf32> to vector<32x1408xf32>
      %mul3A_269 = arith.mulf %mul3A_268, %mul3A_267 : vector<32x1408xf32>
      %mul3A_270 = arith.constant 2 : i32
      %mul3A_271 = arith.muli %mul3A_270, %scan3A_142 : i32
      %add3A_272 = arith.constant 0 : i32
      %add3A_273 = arith.addi %mul3A_271, %add3A_272 : i32
      %rem3A_274 = arith.constant 3 : i32
      %rem3A_275 = arith.remsi %add3A_273, %rem3A_274 : i32
      %dma_wait3A_276 = tpu.memref_slice %arg9[%rem3A_275] : memref<3x!tpu.dma_semaphore, #tpu.memory_space<semaphore_mem>> -> memref<1x!tpu.dma_semaphore, #tpu.memory_space<semaphore_mem>>
      %dma_wait3A_277 = tpu.memref_squeeze %dma_wait3A_276 : memref<1x!tpu.dma_semaphore, #tpu.memory_space<semaphore_mem>> -> memref<!tpu.dma_semaphore, #tpu.memory_space<semaphore_mem>>
      %dma_wait3A_278 = arith.constant 0 : i32
      %dma_wait3A_279 = arith.constant 0 : i32
      %dma_wait3A_280 = tpu.memref_slice %arg7[%rem3A_275, %dma_wait3A_278, %dma_wait3A_279] : memref<3x704x2048xf32, #tpu.memory_space<vmem>> -> memref<1x704x2048xf32, #tpu.memory_space<vmem>>
      %dma_wait3A_281 = tpu.memref_squeeze %dma_wait3A_280 : memref<1x704x2048xf32, #tpu.memory_space<vmem>> -> memref<704x2048xf32, #tpu.memory_space<vmem>>
      %dma_wait3A_282 = arith.constant 0 : i32
      %dma_wait3A_283 = arith.constant 0 : i32
      %dma_wait3A_284 = tpu.memref_slice %arg7[%rem3A_275, %dma_wait3A_282, %dma_wait3A_283] : memref<3x704x2048xf32, #tpu.memory_space<vmem>> -> memref<1x704x2048xf32, #tpu.memory_space<vmem>>
      %dma_wait3A_285 = tpu.memref_squeeze %dma_wait3A_284 : memref<1x704x2048xf32, #tpu.memory_space<vmem>> -> memref<704x2048xf32, #tpu.memory_space<vmem>>
      tpu.wait_dma2 semaphore(%dma_wait3A_277 : memref<!tpu.dma_semaphore, #tpu.memory_space<semaphore_mem>>) src(%dma_wait3A_285 : memref<704x2048xf32, #tpu.memory_space<vmem>>) dst(%dma_wait3A_281 : memref<704x2048xf32, #tpu.memory_space<vmem>>)
      %get3A_286 = arith.constant 0 : index
      %get3A_287 = arith.constant 0 : index
      %get3A_288 = vector.load %arg5[%get3A_286, %get3A_287] : memref<32x2048xf32, #tpu.memory_space<vmem>>, vector<32x2048xf32>
      %slice3A_289 = vector.extract_strided_slice %mul3A_269 {offsets = [0, 0], sizes = [32, 704], strides = [1, 1]} : vector<32x1408xf32> to vector<32x704xf32>
      %get3A_290 = arith.index_cast %rem3A_275 : i32 to index
      %get3A_291 = arith.constant 0 : index
      %get3A_292 = arith.constant 0 : index
      %get3A_293 = vector.load %arg7[%get3A_290, %get3A_291, %get3A_292] : memref<3x704x2048xf32, #tpu.memory_space<vmem>>, vector<1x704x2048xf32>
      %get3A_294 = vector.shape_cast %get3A_293 : vector<1x704x2048xf32> to vector<704x2048xf32>
      %dot_general3A_295 = arith.constant dense<0.000000e+00> : vector<32x2048xf32>
      %dot_general3A_296 = tpu.matmul %slice3A_289, %get3A_294, %dot_general3A_295 {dimension_numbers = #tpu.dot_dimension_numbers<[1], [0], [0], [1], [0, 0, 1, 1], [], []>, transpose_lhs_hint = false} : vector<32x704xf32>, vector<704x2048xf32>, vector<32x2048xf32> -> vector<32x2048xf32>
      %add3A_297 = arith.addf %get3A_288, %dot_general3A_296 : vector<32x2048xf32>
      %swap3A_298 = arith.constant 0 : index
      %swap3A_299 = arith.constant 0 : index
      %swap3A_300 = vector.load %arg5[%swap3A_298, %swap3A_299] : memref<32x2048xf32, #tpu.memory_space<vmem>>, vector<32x2048xf32>
      tpu.vector_store %arg5[%swap3A_298, %swap3A_299], %add3A_297 {strides = array<i32>} : memref<32x2048xf32, #tpu.memory_space<vmem>>, vector<32x2048xf32>,
      %add3A_301 = arith.constant 1 : i32
      %add3A_302 = arith.addi %scan3A_142, %add3A_301 : i32
      %lt3A_303 = arith.constant 16 : i32
      %lt3A_304 = arith.cmpi slt, %add3A_302, %lt3A_303 : i32
      %convert_element_type3A_305 = arith.extui %lt3A_304 : i1 to i32
      %cond3A_306 = arith.constant 0 : i32
      %cond3A_307 = arith.cmpi ne, %convert_element_type3A_305, %cond3A_306 : i32
      scf.if %cond3A_307 {
        %dma_start3A_346 = tpu.memref_slice %arg9[%rem3A_275] : memref<3x!tpu.dma_semaphore, #tpu.memory_space<semaphore_mem>> -> memref<1x!tpu.dma_semaphore, #tpu.memory_space<semaphore_mem>>
        %dma_start3A_347 = tpu.memref_squeeze %dma_start3A_346 : memref<1x!tpu.dma_semaphore, #tpu.memory_space<semaphore_mem>> -> memref<!tpu.dma_semaphore, #tpu.memory_space<semaphore_mem>>
        %dma_start3A_348 = arith.constant 0 : i32
        %dma_start3A_349 = arith.constant 0 : i32
        %dma_start3A_350 = tpu.memref_slice %arg7[%rem3A_275, %dma_start3A_348, %dma_start3A_349] : memref<3x704x2048xf32, #tpu.memory_space<vmem>> -> memref<1x704x2048xf32, #tpu.memory_space<vmem>>
        %dma_start3A_351 = tpu.memref_squeeze %dma_start3A_350 : memref<1x704x2048xf32, #tpu.memory_space<vmem>> -> memref<704x2048xf32, #tpu.memory_space<vmem>>
        %dma_start3A_352 = arith.constant 704 : i32
        %dma_start3A_353 = arith.constant 0 : i32
        %dma_start3A_354 = tpu.memref_slice %arg4[%add3A_302, %dma_start3A_352, %dma_start3A_353] : memref<16x1408x2048xf32, #tpu.memory_space<any>> -> memref<1x704x2048xf32, #tpu.memory_space<any>>
        %dma_start3A_355 = tpu.memref_squeeze %dma_start3A_354 : memref<1x704x2048xf32, #tpu.memory_space<any>> -> memref<704x2048xf32, #tpu.memory_space<any>>
        tpu.enqueue_dma source(%dma_start3A_355 : memref<704x2048xf32, #tpu.memory_space<any>>) target(%dma_start3A_351 : memref<704x2048xf32, #tpu.memory_space<vmem>>) target_semaphore(%dma_start3A_347 : memref<!tpu.dma_semaphore, #tpu.memory_space<semaphore_mem>>)
      } else {
      }
      %mul3A_308 = arith.constant 2 : i32
      %mul3A_309 = arith.muli %mul3A_308, %scan3A_142 : i32
      %add3A_310 = arith.constant 1 : i32
      %add3A_311 = arith.addi %mul3A_309, %add3A_310 : i32
      %rem3A_312 = arith.constant 3 : i32
      %rem3A_313 = arith.remsi %add3A_311, %rem3A_312 : i32
      %dma_wait3A_314 = tpu.memref_slice %arg9[%rem3A_313] : memref<3x!tpu.dma_semaphore, #tpu.memory_space<semaphore_mem>> -> memref<1x!tpu.dma_semaphore, #tpu.memory_space<semaphore_mem>>
      %dma_wait3A_315 = tpu.memref_squeeze %dma_wait3A_314 : memref<1x!tpu.dma_semaphore, #tpu.memory_space<semaphore_mem>> -> memref<!tpu.dma_semaphore, #tpu.memory_space<semaphore_mem>>
      %dma_wait3A_316 = arith.constant 0 : i32
      %dma_wait3A_317 = arith.constant 0 : i32
      %dma_wait3A_318 = tpu.memref_slice %arg7[%rem3A_313, %dma_wait3A_316, %dma_wait3A_317] : memref<3x704x2048xf32, #tpu.memory_space<vmem>> -> memref<1x704x2048xf32, #tpu.memory_space<vmem>>
      %dma_wait3A_319 = tpu.memref_squeeze %dma_wait3A_318 : memref<1x704x2048xf32, #tpu.memory_space<vmem>> -> memref<704x2048xf32, #tpu.memory_space<vmem>>
      %dma_wait3A_320 = arith.constant 0 : i32
      %dma_wait3A_321 = arith.constant 0 : i32
      %dma_wait3A_322 = tpu.memref_slice %arg7[%rem3A_313, %dma_wait3A_320, %dma_wait3A_321] : memref<3x704x2048xf32, #tpu.memory_space<vmem>> -> memref<1x704x2048xf32, #tpu.memory_space<vmem>>
      %dma_wait3A_323 = tpu.memref_squeeze %dma_wait3A_322 : memref<1x704x2048xf32, #tpu.memory_space<vmem>> -> memref<704x2048xf32, #tpu.memory_space<vmem>>
      tpu.wait_dma2 semaphore(%dma_wait3A_315 : memref<!tpu.dma_semaphore, #tpu.memory_space<semaphore_mem>>) src(%dma_wait3A_323 : memref<704x2048xf32, #tpu.memory_space<vmem>>) dst(%dma_wait3A_319 : memref<704x2048xf32, #tpu.memory_space<vmem>>)
      %get3A_324 = arith.constant 0 : index
      %get3A_325 = arith.constant 0 : index
      %get3A_326 = vector.load %arg5[%get3A_324, %get3A_325] : memref<32x2048xf32, #tpu.memory_space<vmem>>, vector<32x2048xf32>
      %slice3A_327 = vector.extract_strided_slice %mul3A_269 {offsets = [0, 704], sizes = [32, 704], strides = [1, 1]} : vector<32x1408xf32> to vector<32x704xf32>
      %get3A_328 = arith.index_cast %rem3A_313 : i32 to index
      %get3A_329 = arith.constant 0 : index
      %get3A_330 = arith.constant 0 : index
      %get3A_331 = vector.load %arg7[%get3A_328, %get3A_329, %get3A_330] : memref<3x704x2048xf32, #tpu.memory_space<vmem>>, vector<1x704x2048xf32>
      %get3A_332 = vector.shape_cast %get3A_331 : vector<1x704x2048xf32> to vector<704x2048xf32>
      %dot_general3A_333 = arith.constant dense<0.000000e+00> : vector<32x2048xf32>
      %dot_general3A_334 = tpu.matmul %slice3A_327, %get3A_332, %dot_general3A_333 {dimension_numbers = #tpu.dot_dimension_numbers<[1], [0], [0], [1], [0, 0, 1, 1], [], []>, transpose_lhs_hint = false} : vector<32x704xf32>, vector<704x2048xf32>, vector<32x2048xf32> -> vector<32x2048xf32>
      %add3A_335 = arith.addf %get3A_326, %dot_general3A_334 : vector<32x2048xf32>
      %swap3A_336 = arith.constant 0 : index
      %swap3A_337 = arith.constant 0 : index
      %swap3A_338 = vector.load %arg5[%swap3A_336, %swap3A_337] : memref<32x2048xf32, #tpu.memory_space<vmem>>, vector<32x2048xf32>
      tpu.vector_store %arg5[%swap3A_336, %swap3A_337], %add3A_335 {strides = array<i32>} : memref<32x2048xf32, #tpu.memory_space<vmem>>, vector<32x2048xf32>,
      %add3A_339 = arith.constant 2 : i32
      %add3A_340 = arith.addi %scan3A_142, %add3A_339 : i32
      %lt3A_341 = arith.constant 16 : i32
      %lt3A_342 = arith.cmpi slt, %add3A_340, %lt3A_341 : i32
      %convert_element_type3A_343 = arith.extui %lt3A_342 : i1 to i32
      %cond3A_344 = arith.constant 0 : i32
      %cond3A_345 = arith.cmpi ne, %convert_element_type3A_343, %cond3A_344 : i32
      scf.if %cond3A_345 {
        %dma_start3A_346 = tpu.memref_slice %arg9[%rem3A_313] : memref<3x!tpu.dma_semaphore, #tpu.memory_space<semaphore_mem>> -> memref<1x!tpu.dma_semaphore, #tpu.memory_space<semaphore_mem>>
        %dma_start3A_347 = tpu.memref_squeeze %dma_start3A_346 : memref<1x!tpu.dma_semaphore, #tpu.memory_space<semaphore_mem>> -> memref<!tpu.dma_semaphore, #tpu.memory_space<semaphore_mem>>
        %dma_start3A_348 = arith.constant 0 : i32
        %dma_start3A_349 = arith.constant 0 : i32
        %dma_start3A_350 = tpu.memref_slice %arg7[%rem3A_313, %dma_start3A_348, %dma_start3A_349] : memref<3x704x2048xf32, #tpu.memory_space<vmem>> -> memref<1x704x2048xf32, #tpu.memory_space<vmem>>
        %dma_start3A_351 = tpu.memref_squeeze %dma_start3A_350 : memref<1x704x2048xf32, #tpu.memory_space<vmem>> -> memref<704x2048xf32, #tpu.memory_space<vmem>>
        %dma_start3A_352 = arith.constant 0 : i32
        %dma_start3A_353 = arith.constant 0 : i32
        %dma_start3A_354 = tpu.memref_slice %arg4[%add3A_340, %dma_start3A_352, %dma_start3A_353] : memref<16x1408x2048xf32, #tpu.memory_space<any>> -> memref<1x704x2048xf32, #tpu.memory_space<any>>
        %dma_start3A_355 = tpu.memref_squeeze %dma_start3A_354 : memref<1x704x2048xf32, #tpu.memory_space<any>> -> memref<704x2048xf32, #tpu.memory_space<any>>
        tpu.enqueue_dma source(%dma_start3A_355 : memref<704x2048xf32, #tpu.memory_space<any>>) target(%dma_start3A_351 : memref<704x2048xf32, #tpu.memory_space<vmem>>) target_semaphore(%dma_start3A_347 : memref<!tpu.dma_semaphore, #tpu.memory_space<semaphore_mem>>)
      } else {
      }
    }
    %scan3A_141 = arith.constant 16 : i32
    return
  }
}

</mosaic_0001>

<sc_bundles>
// kernel: kernel.4.cloned.1.call-start
scs
__scs_entry_jumppad:
0x0: {  	(pc) =	sbr.rel $0x88, $3  }
0x1: {  	(tag) =	ssettag $0x0;
	lr =	simm.s32 $0x1  }
0x2: {  	[smem:$0x3F9C] =	sst lr;
	_ =	strace $0xD0000000  }
0x3: {  	_ = 	snop  }
0x4: {  	_ = 	snop  }
0x5: {  	_ = 	snop  }
0x6: {  	_ = 	snop  }
0x7: {  	_ = 	snop  }
__scs_overlays_trampoline_lowered:
0x8: {  	[smem:$0x3FAB] =	sst s0  }
0x9: {  	[smem:$0x3FAC] =	sst s1  }
0xa: {  	[smem:$0x3FAD] =	sst s2  }
0xb: {  	[smem:$0x3FAE] =	sst s3  }
0xc: {  	[smem:$0x3FAF] =	sst s4  }
0xd: {  	[smem:$0x3FB0] =	sst s5  }
0xe: {  	[smem:$0x3FB1] =	sst s6  }
0xf: {  	[smem:$0x3FB2] =	sst s7  }
0x10: {  	[smem:$0x3FB3] =	sst s8  }
0x11: {  	[smem:$0x3FB4] =	sst s9;
	s0 =	simm.s32 @!p0 $0x0  }
0x12: {  	s1 =	sld [smem:$0x3F9A];
	s0 =	simm.s32 @p0 $0x1  }
0x13: {  	[smem:$0x3FB5] =	sst s0;
	s0 =	simm.s32 @!p1 $0x0  }
0x14: {  	s2 =	sld [smem:$0x3F99];
	s0 =	simm.s32 @p1 $0x1  }
0x15: {  	[smem:$0x3FB6] =	sst s0;
	s0 =	simm.s32 @!p2 $0x0  }
0x16: {  	s3 =	sld [smem:$0x3FDB];
	s0 =	simm.s32 @p2 $0x1  }
0x17: {  	s4 =	simm.s32 $0x1BF5;
	[smem:$0x3FB8] =	sst s0  }
0x18: {  	s0 =	sld [smem:$0x3F9B];
	_ =	swait.ge [sflag:s4], $0x0  }
0x19: {  	s7 =	sld [smem:$0x3F9C]  }
0x1a: {  	s8 =	sadd.s32 $0xFFFFE003, lr  }
0x1b: {  	s9 =	sadd.s32 $0xFFFFFEF7, lr;
	s5 =	simm.s32 $0xFFFFFFFF;
	p2 =	slt.u32 s8, $0xFFFFF086  }
0x1c: {  	p1 =	slt.u32 s9, $0xF7A;
	s5 =	simm.s32 @!p2 $0x0  }
0x1d: {  	s5 =	simm.s32 @p1 $0x1;
	p0 =	seq.s32 s7, s2  }
0x1e: {  	s7 =	smul.u32 @!p0 $0xF7A, s2;
	p2 =	seq.s32 @!p0 s5, $0x0  }
0x1f: {  	s9 =	smul.u32 $0xF7A, s1;
	s8 =	simm.s32 @!p0 $0x1BF5;
	p2 =	por !p2, p0  }
0x20: {  	[sflag:s8] =	ssyncset.s32 @!p0 $0xFFFFF086;
	s6 =	sadd.s32 @!p0 s3, s7;
	s7 =	simm.s32 @!p0 $0x108  }
0x21: {  	s3 =	sadd.s32 s3, s9;
	s6 =	sadd.s32 @!p0 $0x88, s6;
	s7 =	simm.s32 @p2 $0x1082  }
0x22: {  	[simem:s7], [sflag:s8] =	dma.local @!p0 [hbm:s6], $0xF7A  }
0x23: {  	s9 =	sor.u32 $0xD0000000, s2;
	s6 =	simm.s32 $0x108;
	_ =	swait.ge @!p0 [sflag:s8], $0x0  }
0x24: {  	s3 =	sadd.s32 $0x88, s3;
	s6 =	simm.s32 @!p1 $0x1082;
	[sflag:s4] =	ssyncset.s32 $0xFFFFF086  }
0x25: {  	[simem:s6], [sflag:s4] =	dma.local [hbm:s3], $0xF7A  }
0x26: {  	[smem:$0x3F9C] =	sst s1;
	(tag) =	ssettag s2;
	_ =	strace s9  }
0x27: {  	s1 =	sld [smem:$0x3FAC]  }
0x28: {  	s2 =	sld [smem:$0x3FAD]  }
0x29: {  	s4 =	sld [smem:$0x3FAF]  }
0x2a: {  	p0 =	seq.s32 s5, $0x0;
	s5 =	sld [smem:$0x3FB0]  }
0x2b: {  	s6 =	sld [smem:$0x3FB1]  }
0x2c: {  	s7 =	sld [smem:$0x3FB2]  }
0x2d: {  	s3 =	simm.s32 $0x108;
	s8 =	sld [smem:$0x3FB3]  }
0x2e: {  	s3 =	simm.s32 @!p0 $0x1082;
	s9 =	sld [smem:$0x3FB4]  }
0x2f: {  	lr =	sadd.s32 s0, s3;
	s0 =	sld [smem:$0x3FAB]  }
0x30: {  	s3 =	sld [smem:$0x3FAE]  }
0x31: {  	[smem:$0x3FB7] =	sst s10  }
0x32: {  	s10 =	sld [smem:$0x3FB5];
	_ =	sdelay $0x3  }
0x33: {  	p0 =	seq.s32 s10, $0x1;
	s10 =	sld [smem:$0x3FB7];
	_ =	sdelay $0x3  }
0x34: {  	[smem:$0x3FB7] =	sst s10  }
0x35: {  	s10 =	sld [smem:$0x3FB6];
	_ =	sdelay $0x3  }
0x36: {  	p1 =	seq.s32 s10, $0x1;
	s10 =	sld [smem:$0x3FB7];
	_ =	sdelay $0x3  }
0x37: {  	[smem:$0x3FB7] =	sst s10  }
0x38: {  	s10 =	sld [smem:$0x3FB8]  }
0x39: {  	_ = 	snop;
	(pc) =	sbr.ind lr, $3  }
0x3a: {  	_ = 	snop  }
0x3b: {  	_ = 	snop  }
0x3c: {  	p2 =	seq.s32 s10, $0x1;
	s10 =	sld [smem:$0x3FB7]  }
0x3d: {  	_ =	shalt  }
0x3e: {  	_ =	shalt  }
0x3f: {  	_ =	shalt  }
0x40: {  	_ =	shalt  }
0x41: {  	_ =	shalt  }
0x42: {  	_ =	shalt  }
0x43: {  	_ =	shalt  }
0x44: {  	_ =	shalt  }
0x45: {  	_ =	shalt  }
0x46: {  	_ =	shalt  }
0x47: {  	_ =	shalt  }
0x48: {  	_ =	shalt  }
0x49: {  	_ =	shalt  }
0x4a: {  	_ =	shalt  }
0x4b: {  	_ =	shalt  }
0x4c: {  	_ =	shalt  }
0x4d: {  	_ =	shalt  }
0x4e: {  	_ =	shalt  }
0x4f: {  	_ =	shalt  }
0x50: {  	_ =	shalt  }
0x51: {  	_ =	shalt  }
0x52: {  	_ =	shalt  }
0x53: {  	_ =	shalt  }
0x54: {  	_ =	shalt  }
0x55: {  	_ =	shalt  }
0x56: {  	_ =	shalt  }
0x57: {  	_ =	shalt  }
0x58: {  	_ =	shalt  }
0x59: {  	_ =	shalt  }
0x5a: {  	_ =	shalt  }
0x5b: {  	_ =	shalt  }
0x5c: {  	_ =	shalt  }
0x5d: {  	_ =	shalt  }
0x5e: {  	_ =	shalt  }
0x5f: {  	_ =	shalt  }
0x60: {  	_ =	shalt  }
0x61: {  	_ =	shalt  }
0x62: {  	_ =	shalt  }
0x63: {  	_ =	shalt  }
0x64: {  	_ =	shalt  }
0x65: {  	_ =	shalt  }
0x66: {  	_ =	shalt  }
0x67: {  	_ =	shalt  }
0x68: {  	_ =	shalt  }
0x69: {  	_ =	shalt  }
0x6a: {  	_ =	shalt  }
0x6b: {  	_ =	shalt  }
0x6c: {  	_ =	shalt  }
0x6d: {  	_ =	shalt  }
0x6e: {  	_ =	shalt  }
0x6f: {  	_ =	shalt  }
0x70: {  	_ =	shalt  }
0x71: {  	_ =	shalt  }
0x72: {  	_ =	shalt  }
0x73: {  	_ =	shalt  }
0x74: {  	_ =	shalt  }
0x75: {  	_ =	shalt  }
0x76: {  	_ =	shalt  }
0x77: {  	_ =	shalt  }
0x78: {  	_ =	shalt  }
0x79: {  	_ =	shalt  }
0x7a: {  	_ =	shalt  }
0x7b: {  	_ =	shalt  }
0x7c: {  	_ =	shalt  }
0x7d: {  	_ =	shalt  }
0x7e: {  	_ =	shalt  }
0x7f: {  	_ =	shalt  }
0x80: {  	_ =	shalt  }
0x81: {  	_ =	shalt  }
0x82: {  	_ =	shalt  }
0x83: {  	_ =	shalt  }
0x84: {  	_ =	shalt  }
0x85: {  	_ =	shalt  }
0x86: {  	_ =	shalt  }
0x87: {  	_ =	shalt  }
.Lfunc_end0:
.L_simem_size_0:
called_computation_lowered:
.L_overlay_start_0:
0x88: {  	s2 =	sld [smem:$0x3FD9]  }
0x89: {  	s3 =	sld [smem:$0x3FFE];
	_ =	sdelay $0x1  }
0x8a: {  	s1 =	srdreg.scid  }
0x8b: {  	s0 =	sand.u32 $0x1, s1  }
0x8c: {  	s17 =	sshll.u32 s0, $0xA;
	s2 =	sadd.s32 s3, s2  }
0x8d: {  	s2 =	sadd.s32 s2, s17  }
0x8e: {  	[smem:$0x3FC3] =	sst s2  }
0x8f: {  	_ = 	snop  }
0x90: {  	s2 =	sld [smem:$0x3FD0];
	(tm) =	ssettm $0x1  }
0x91: {  	s18 =	sld [smem:$0x3FFB];
	_ =	sdelay $0x3  }
0x92: {  	_ =	strace s18  }
0x93: {  	s3 =	sld [smem:$0x3FFC];
	_ =	sdelay $0x3  }
0x94: {  	_ =	strace s3  }
0x95: {  	s3 =	sld [smem:$0x3FFD];
	_ =	sdelay $0x3  }
0x96: {  	_ =	strace s3  }
0x97: {  	_ =	strace $0x8FFFFFFF  }
0x98: {  	s19 =	sld [smem:$0x3FDB];
	_ =	sdelay $0x1  }
0x99: {  	s4 =	simm.s32 $_scs_section_size  }
0x9a: {  	s5 =	simm.s32 $_size__tile_overlayer_lowered;
	s6 =	simm.s32 $_tile_overlayer_lowered  }
0x9b: {  	s22 =	simm.s32 $0x1BFF;
	s21 =	sshll.u32 s6, $0x1;
	s3 =	sadd.s32 s4, s19  }
0x9c: {  	s7 =	simm.s32 $0x0;
	s20 =	sshll.u32 s5, $0x1;
	s5 =	sadd.s32 s21, s3  }
0x9d: {  	[timem:s7], [sflag:s22] =	dma.local [hbm:s5], s20  }
0x9e: {  	_ =	swait.ge [sflag:s22], s20  }
0x9f: {  	s4 =	ssub.s32 $0x0, s20;
	[sflag:s22] =	ssyncset.done $0x0  }
0xa0: {  	[sflag:s22] =	ssyncadd.s32 s4;
	_ =	sdelay $0x1  }
0xa1: {  	s23 =	simm.s32 $0x1B8B  }
0xa2: {  	_ =	swait.ge [sflag:s23], $0x1  }
0xa3: {  	[sflag:s23] =	ssyncset.done $0x0  }
0xa4: {  	s25 =	simm.s32 $0x1B8E;
	s24 =	sld [smem:$0x3FFE];
	[sflag:s23] =	ssyncadd.s32 $0xFFFFFFFF  }
0xa5: {  	s26 =	simm.s32 $execute0_lowered;
	[smem:$0x3FD2] =	sst s25  }
0xa6: {  	s5 =	sshll.u32 s26, $0x1;
	_ =	strace $0x80000046;
	[dreg:$0x1] =	wrdreg $0xFFFFFFFF  }
0xa7: {  	s28 =	simm.s32 $_size_execute0_lowered;
	s3 =	sadd.s32 s3, s5;
	[dreg:$0x0] =	wrdreg $0x0  }
0xa8: {  	s5 =	sshll.u32 s28, $0x1;
	[dreg:$0x2] =	wrdreg s3  }
0xa9: {  	[dreg:$0x3] =	wrdreg s5  }
0xaa: {  	[dreg:$0x4] =	wrdreg $0xC0  }
0xab: {  	_ =	task [dreg:s7], $0x5FFFF  }
0xac: {  	[dreg:$0x1] =	wrdreg $0xFFFFFFFF  }
0xad: {  	[dreg:$0x0] =	wrdreg $0x60  }
0xae: {  	[dreg:$0x2] =	wrdreg s2  }
0xaf: {  	[dreg:$0x3] =	wrdreg s24  }
0xb0: {  	[dreg:$0x4] =	wrdreg $0x9  }
0xb1: {  	_ =	task.clear_ibuf [dreg:s7], $0x5FFFF;
	_ =	strace $0x90000046  }
0xb2: {  	s29 =	simm.s32 $0x9;
	_ =	strace $0x80000048  }
0xb3: {  	_ =	swait.ge [sflag:s29], $0x1  }
0xb4: {  	[sflag:s29] =	ssyncadd.s32 $0xFFFFFFFF  }
0xb5: {  	_ =	strace $0x90000048  }
0xb6: {  	_ =	sfence  }
0xb7: {  	s30 =	sld [smem:$0x0];
	_ =	sdelay $0x2  }
0xb8: {  	s31 =	sshll.u32 s1, $0xD;
	s1 =	sshrl.u32 s1, $0x2  }
0xb9: {  	s3 =	sand.u32 $0x4000, s31;
	s1 =	sadd.s32 s1, s30  }
0xba: {  	s0 =	sor.u32 s3, s0;
	s1 =	sshll.u32 s1, $0x11  }
0xbb: {  	s0 =	sor.u32 s1, s0  }
0xbc: {  	s0 =	sadd.s32 $0x8F2B, s0  }
0xbd: {  	[sflag:s0] =	ssyncadd.remote.s32 $0x1  }
0xbe: {  	_ =	sfence.sel $0xFFFF  }
0xbf: {  	[dreg:$0x0] =	wrdreg $0xFFFFFFFF;
	(pc) =	sbr.abs _section_cstart, $3  }
0xc0: {  	[dreg:$0x1] =	wrdreg $0xFFFFFFFF  }
0xc1: {  	_ =	task.clear_ibuf [dreg:s7], $0x2FFFF;
	_ =	strace $0x9FFFFFFF  }
0xc2: {  	(tm) =	ssettm $0x7FFFFFFF  }
0xc3: {  	_ =	shalt  }
tec
execute0_lowered:
.L_overlay_start_1:
0x0: {  	(tag) =	ssettag $0x1  }
0x1: {  	s3 =	rddreg [dreg:$0x0]  }
0x2: {  	s5 =	rddreg [dreg:$0x1];
	s2 =	srdreg.scid  }
0x3: {  	s0 =	rddreg [dreg:$0x2];
	s1 =	stileid.u32;
	s6 =	sand.u32 $0x1, s2  }
0x4: {  	s2 =	simm.s32 $0x0;
	s4 =	sshll.u32 s1, $0x5;
	s7 =	sshll.u32 s6, $0x4  }
0x5: {  	[smem:$0x7FF] =	sst s2;
	s7 =	sor.u32 s7, s4  }
0x6: {  	_ =	strace $0x80000047;
	s4 =	sadd.s32 s3, s7;
	s3 =	simm.s32 $0x1  }
0x7: {  	[tilespmem:s2], [sflag:$0x1] =	stream.linear.gather [hbm4b:s4+s2], $0x80, $0x38;
	[tilespmem:$0x100] =	vst v63  }
0x8: {  	_ =	swait.ge [sflag:s3], $0x80  }
0x9: {  	[sflag:s3] =	ssyncset.done $0x0  }
0xa: {  	[sflag:s3] =	ssyncadd.s32 $0xFFFFFF80  }
0xb: {  	v2 =	vld [tilespmem:$0x0];
	_ =	sdelay $0x4  }
0xc: {  	(xrf0) =	vmax.scan.msk.f32 $0xffff, v2;
	_ =	sdelay $0x5  }
0xd: {  	v0, _, _ =	vpop (xrf0)  }
0xe: {  	v3 =	vbroadcast v0, $0xF  }
0xf: {  	v0 =	vlaneseq.u32  }
0x10: {  	v1 =	vor.u32 $0x80000000, v0;
	vm0 =	vge.f32 v2, v3  }
0x11: {  	v4 =	vnsel vm0, $0x80000010, v1  }
0x12: {  	(xrf0) =	vmin.scan.msk.u32 $0xffff, v4;
	_ =	sdelay $0x5  }
0x13: {  	v4, _, _ =	vpop (xrf0)  }
0x14: {  	(v2sf) =	vpush v4, $0xF;
	_ =	sdelay $0xe  }
0x15: {  	s8 =	spop (v2sf)  }
0x16: {  	s8 =	sxor.u32 $0x80000000, s8  }
0x17: {  	v62 =	vmov s8  }
0x18: {  	vm14 =	veq.s32 v62, v0  }
0x19: {  	v2 =	vsel vm14, $0xFF800000, v2  }
0x1a: {  	v3 =	vsub.f32 v2, v3;
	(xrf0) =	vmax.scan.msk.f32 $0xffff, v2;
	_ =	sdelay $0x1  }
0x1b: {  	v3 =	vmul.f32 $1.442695020e+00, v3;
	_ =	sdelay $0x1  }
0x1c: {  	(erf) = vpow2.f32 v3;
	_ =	sdelay $0x1  }
0x1d: {  	v3, _, _ =	vpop (xrf0)  }
0x1e: {  	v3 =	vbroadcast v3, $0xF;
	_ =	sdelay $0x1  }
0x1f: {  	vm1 =	vge.f32 v2, v3  }
0x20: {  	v2 =	vnsel vm1, $0x80000010, v1;
	_ =	sdelay $0x2  }
0x21: {  	(xrf0) =	vmin.scan.msk.u32 $0xffff, v2;
	v2 =	vpop (erf)  }
0x22: {  	(xrf0) =	vmax.scan.msk.f32 $0xffff, v2;
	_ =	sdelay $0x4  }
0x23: {  	v2, _, _ =	vpop (xrf0)  }
0x24: {  	(v2sf) =	vpush v2, $0xF;
	v2, _, _ =	vpop (xrf0)  }
0x25: {  	(v2sf) =	vpush v2, $0xF;
	_ =	sdelay $0xd  }
0x26: {  	s29 =	spop (v2sf)  }
0x27: {  	s9 =	spop (v2sf)  }
0x28: {  	s10 =	sadd.f32 $1.000000000e+00, s9;
	_ =	sdelay $0x1  }
0x29: {  	s10 =	smul.f32 $5.000000000e-01, s10;
	_ =	sdelay $0x1  }
0x2a: {  	s11 =	smul.f32 $-1.882352950e+00, s10;
	_ =	sdelay $0x1  }
0x2b: {  	s11 =	sadd.f32 $2.823529480e+00, s11;
	_ =	sdelay $0x1  }
0x2c: {  	s12 =	smul.f32 s11, s10;
	_ =	sdelay $0x1  }
0x2d: {  	s12 =	ssub.f32 $2.000000000e+00, s12;
	_ =	sdelay $0x1  }
0x2e: {  	s11 =	smul.f32 s12, s11;
	_ =	sdelay $0x1  }
0x2f: {  	s12 =	smul.f32 s11, s10;
	_ =	sdelay $0x1  }
0x30: {  	s12 =	ssub.f32 $2.000000000e+00, s12;
	_ =	sdelay $0x1  }
0x31: {  	s11 =	smul.f32 s12, s11;
	_ =	sdelay $0x1  }
0x32: {  	s10 =	smul.f32 s11, s10;
	_ =	sdelay $0x1  }
0x33: {  	s10 =	ssub.f32 $2.000000000e+00, s10;
	_ =	sdelay $0x1  }
0x34: {  	s10 =	smul.f32 s10, s11;
	_ =	sdelay $0x1  }
0x35: {  	s10 =	smul.f32 $5.000000000e-01, s10;
	_ =	sdelay $0x1  }
0x36: {  	s9 =	smul.f32 s10, s9;
	_ =	sdelay $0x1  }
0x37: {  	s6 =	ssub.s32 $0x2, s6;
	s8 =	sxor.u32 $0x80000000, s29;
	s10 =	ssub.f32 $1.000000000e+00, s9  }
0x38: {  	s30 =	sshrl.u32 s6, $0x1;
	v2 =	vmov s8  }
0x39: {  	s6 =	ssub.s32 s6, s30;
	vm15 =	veq.s32 v2, v0;
	v3 =	vmov s9;
	v63 =	vmov s10  }
0x3a: {  	s31 =	smax.u32 s6, $0x1;
	v3 =	vnsel vm15, $0x0, v3;
	v2 =	vnsel vm14, $0x0, v63  }
0x3b: {  	p0 =	sne.s32 s31, $0x1;
	v2 =	vadd.f32 v2, v3  }
.Ltmp0:
0x3c: {  	s5 =	sadd.s32 s7, s5;
	(pc) =	sbr.rel @!p0 .LBB2_2-.Ltmp0, $4  }
0x3d: {  	s5 =	sadd.s32 $0x400, s5;
	s6 =	simm.s32 $0x80;
	[tilespmem:$0x80] =	vst v2  }
0x3e: {  	[hbm4b:s5+s2] =	stream.linear.scatter [tilespmem:s6], [sflag:$0x1], $0x80, $0x38;
	[tilespmem:$0x100] =	vst v63  }
0x3f: {  	_ =	swait.ge [sflag:s3], $0x80  }
0x40: {  	s7 =	sadd.s32 $0xFFFFFFFF, s31;
	[sflag:s3] =	ssyncset.done $0x0  }
.LBB2_1:
0x41: {  	p0 =	sne.s32 s7, $0x1;
	s7 =	sadd.s32 $0xFFFFFFFF, s7;
	[sflag:s3] =	ssyncadd.s32 $0xFFFFFF80  }
0x42: {  	[tilespmem:s2], [sflag:$0x1] =	stream.linear.gather [hbm4b:s4+s2], $0x80, $0x38;
	[tilespmem:$0x100] =	vst v63  }
0x43: {  	_ =	swait.ge [sflag:s3], $0x80  }
0x44: {  	[sflag:s3] =	ssyncset.done $0x0  }
0x45: {  	[sflag:s3] =	ssyncadd.s32 $0xFFFFFF80  }
0x46: {  	v2 =	vld [tilespmem:$0x0];
	_ =	sdelay $0x4  }
0x47: {  	(xrf0) =	vmax.scan.msk.f32 $0xffff, v2;
	_ =	sdelay $0x5  }
0x48: {  	v3, _, _ =	vpop (xrf0)  }
0x49: {  	v3 =	vbroadcast v3, $0xF;
	_ =	sdelay $0x1  }
0x4a: {  	vm0 =	vge.f32 v2, v3  }
0x4b: {  	v4 =	vnsel vm0, $0x80000010, v1  }
0x4c: {  	(xrf0) =	vmin.scan.msk.u32 $0xffff, v4;
	_ =	sdelay $0x5  }
0x4d: {  	v4, _, _ =	vpop (xrf0)  }
0x4e: {  	(v2sf) =	vpush v4, $0xF;
	_ =	sdelay $0xe  }
0x4f: {  	s8 =	spop (v2sf)  }
0x50: {  	s8 =	sxor.u32 $0x80000000, s8  }
0x51: {  	v4 =	vmov s8  }
0x52: {  	vm0 =	veq.s32 v4, v0  }
0x53: {  	v2 =	vsel vm0, $0xFF800000, v2  }
0x54: {  	v3 =	vsub.f32 v2, v3;
	(xrf0) =	vmax.scan.msk.f32 $0xffff, v2;
	_ =	sdelay $0x1  }
0x55: {  	v3 =	vmul.f32 $1.442695020e+00, v3;
	_ =	sdelay $0x1  }
0x56: {  	(erf) = vpow2.f32 v3;
	_ =	sdelay $0x1  }
0x57: {  	v3, _, _ =	vpop (xrf0)  }
0x58: {  	v3 =	vbroadcast v3, $0xF;
	_ =	sdelay $0x1  }
0x59: {  	vm1 =	vge.f32 v2, v3  }
0x5a: {  	v2 =	vnsel vm1, $0x80000010, v1  }
0x5b: {  	(xrf0) =	vmin.scan.msk.u32 $0xffff, v2;
	_ =	sdelay $0x1  }
0x5c: {  	v2 =	vpop (erf)  }
0x5d: {  	(xrf0) =	vmax.scan.msk.f32 $0xffff, v2;
	_ =	sdelay $0x2  }
0x5e: {  	v2, _, _ =	vpop (xrf0)  }
0x5f: {  	(v2sf) =	vpush v2, $0xF;
	_ =	sdelay $0x1  }
0x60: {  	v2, _, _ =	vpop (xrf0)  }
0x61: {  	(v2sf) =	vpush v2, $0xF;
	_ =	sdelay $0xb  }
0x62: {  	s8 =	spop (v2sf)  }
0x63: {  	s8 =	sxor.u32 $0x80000000, s8  }
0x64: {  	v2 =	vmov s8  }
0x65: {  	s8 =	spop (v2sf)  }
0x66: {  	s9 =	sadd.f32 $1.000000000e+00, s8;
	_ =	sdelay $0x1  }
0x67: {  	s9 =	smul.f32 $5.000000000e-01, s9;
	_ =	sdelay $0x1  }
0x68: {  	s10 =	smul.f32 $-1.882352950e+00, s9;
	_ =	sdelay $0x1  }
0x69: {  	s10 =	sadd.f32 $2.823529480e+00, s10;
	_ =	sdelay $0x1  }
0x6a: {  	s11 =	smul.f32 s10, s9;
	_ =	sdelay $0x1  }
0x6b: {  	s11 =	ssub.f32 $2.000000000e+00, s11;
	_ =	sdelay $0x1  }
0x6c: {  	s10 =	smul.f32 s11, s10;
	_ =	sdelay $0x1  }
0x6d: {  	s11 =	smul.f32 s10, s9;
	_ =	sdelay $0x1  }
0x6e: {  	s11 =	ssub.f32 $2.000000000e+00, s11;
	_ =	sdelay $0x1  }
0x6f: {  	s10 =	smul.f32 s11, s10;
	_ =	sdelay $0x1  }
0x70: {  	s9 =	smul.f32 s10, s9;
	_ =	sdelay $0x1  }
0x71: {  	s9 =	ssub.f32 $2.000000000e+00, s9;
	_ =	sdelay $0x1  }
0x72: {  	s9 =	smul.f32 s9, s10;
	_ =	sdelay $0x1  }
0x73: {  	s9 =	smul.f32 $5.000000000e-01, s9;
	_ =	sdelay $0x1  }
0x74: {  	s8 =	smul.f32 s9, s8;
	_ =	sdelay $0x1  }
0x75: {  	s9 =	ssub.f32 $1.000000000e+00, s8;
	v3 =	vmov s8;
	_ =	sdelay $0x1  }
0x76: {  	vm1 =	veq.s32 v2, v0;
	v4 =	vmov s9  }
0x77: {  	v3 =	vnsel vm1, $0x0, v3;
	v2 =	vnsel vm0, $0x0, v4  }
0x78: {  	v2 =	vadd.f32 v2, v3  }
.Ltmp1:
0x79: {  	(pc) =	sbr.rel @p0 .LBB2_1-.Ltmp1, $4  }
0x7a: {  	[tilespmem:$0x80] =	vst v2  }
0x7b: {  	[hbm4b:s5+s2] =	stream.linear.scatter [tilespmem:s6], [sflag:$0x1], $0x80, $0x38;
	[tilespmem:$0x100] =	vst v63  }
0x7c: {  	_ =	swait.ge [sflag:s3], $0x80  }
0x7d: {  	[sflag:s3] =	ssyncset.done $0x0  }
.LBB2_2:
0x7e: {  	[sflag:s3] =	ssyncadd.s32 $0xFFFFFF80  }
0x7f: {  	_ =	sfence.sel $0x180000  }
0x80: {  	[bflag:$0x0] =	sbarrier.arrive $0xFFFF  }
0x81: {  	p0 =	sne.s32 s1, $0x0;
	_ =	strace $0x90000047  }
0x82: {  	s0 =	sadd.s32 @!p0 $0x100000, s0;
	[bflag:$0x2] =	sbarrier.arrive $0xFFFF  }
0x83: {  	[sflag:s0] =	ssyncadd.tile.s32 @!p0 $0x1;
	_ =	shalt  }
.Lfunc_end2:
_tile_overlayer_lowered:
.L_overlay_start_2:
0x84: {  	(tag) =	ssettag $0x2  }
0x85: {  	s0 =	rddreg [dreg:$0x0];
	s2 =	stileid.u32  }
0x86: {  	s1 =	rddreg [dreg:$0x1];
	p0 =	sne.s32 s2, $0x0  }
0x87: {  	s3 =	rddreg [dreg:$0x2];
	[bflag:$0x3] =	sbarrier.arrive $0xFFFF;
	s2 =	simm.s32 @!p0 $0x1C01  }
0x88: {  	[timem:s3], [sflag:s2] =	dma.local @!p0 [hbm:s0], s1  }
0x89: {  	s0 =	simm.s32 @!p0 $0x1  }
0x8a: {  	_ =	swait.ge @!p0 [sflag:s0], s1  }
0x8b: {  	s1 =	ssub.s32 @!p0 $0x0, s1;
	[sflag:s0] =	ssyncset.done @!p0 $0x0  }
0x8c: {  	[sflag:s0] =	ssyncadd.s32 @!p0 s1  }
0x8d: {  	[bflag:$0x3] =	sbarrier.arrive $0xFFFF  }
0x8e: {  	_ =	shalt  }

</sc_bundles>
